<compile_context>
chip_gen: v7x
topology: tpu7x:2x2x1
jax: 0.10.2.dev20260603
libtpu: 0.0.44.dev20260713+nightly
codegen_flags: <defaults>
</compile_context>

<pallas_src>
import functools

import jax
import jax.numpy as jnp
from jax import lax
from jax.experimental import pallas as pl
from jax.experimental.pallas import tpu as pltpu
from jax.experimental.pallas import tpu_sc as plsc

SPLIT = 500_000
D = 32
L = 16
NC, NS = 2, 16
NW = NC * NS

CHUNK = 512
G = 128


def _sc_body(idx_hbm, w0_hbm, w1_hbm, out_hbm,
             idx_v, idx1_v, rows0_v, rows1_v, sem0, sem1):
    n_total = idx_hbm.shape[0]
    per_w = n_total // NW
    wid = lax.axis_index("s") * NC + lax.axis_index("c")
    base_w = wid * per_w

    @pl.loop(0, per_w // CHUNK)
    def _chunk(g):
        base = base_w + g * CHUNK
        pltpu.sync_copy(idx_hbm.at[pl.ds(base, CHUNK)], idx_v)

        @pl.loop(0, CHUNK // L)
        def _remap(i):
            v = idx_v[pl.ds(i * L, L)]
            idx1_v[pl.ds(i * L, L)] = jnp.where(v >= SPLIT, v - SPLIT, v)

        cps = []
        for j in range(CHUNK // G):
            cps.append(pltpu.async_copy(
                w0_hbm.at[idx_v.at[pl.ds(j * G, G)]],
                rows0_v.at[pl.ds(j * G, G)], sem0))
            cps.append(pltpu.async_copy(
                w1_hbm.at[idx1_v.at[pl.ds(j * G, G)]],
                rows1_v.at[pl.ds(j * G, G)], sem1))
        for cp in cps:
            cp.wait()

        @pl.loop(0, CHUNK, step=L)
        def _mask(r0):
            v = idx_v[pl.ds(r0, L)]
            sf = jnp.where(v >= SPLIT, 1.0, 0.0)
            for rr in range(L):
                r = r0 + rr
                a = rows1_v[r, pl.ds(0, L)]
                b = rows1_v[r, pl.ds(L, L)]
                rows1_v[r, pl.ds(0, L)] = a * sf[rr]
                rows1_v[r, pl.ds(L, L)] = b * sf[rr]

        pltpu.sync_copy(rows0_v, out_hbm.at[pl.ds(base, CHUNK), pl.ds(0, D)])
        pltpu.sync_copy(rows1_v, out_hbm.at[pl.ds(base, CHUNK), pl.ds(D, D)])


@jax.jit
def kernel(input, W0, W1):
    n = input.shape[0] * input.shape[1]
    idx = input.reshape(n).astype(jnp.int32)

    mesh = plsc.VectorSubcoreMesh(
        core_axis_name="c", subcore_axis_name="s",
        num_cores=NC, num_subcores=NS)
    out = pl.kernel(
        _sc_body,
        out_type=jax.ShapeDtypeStruct((n, 2 * D), jnp.float32),
        mesh=mesh,
        compiler_params=pltpu.CompilerParams(use_tc_tiling_on_sc=False),
        scratch_types=[
            pltpu.VMEM((CHUNK,), jnp.int32),
            pltpu.VMEM((CHUNK,), jnp.int32),
            pltpu.VMEM((CHUNK, D), jnp.float32),
            pltpu.VMEM((CHUNK, D), jnp.float32),
            pltpu.SemaphoreType.DMA,
            pltpu.SemaphoreType.DMA,
        ],
    )(idx, W0, W1)
    return out.reshape(input.shape[0], input.shape[1], 2 * D)

# --- scband reference (transcript-rebuilt; emitter-appended) ---
"""Pipeline reference for scband-sparse-embedding-76845554860475 (READ-ONLY COPY).

The authoritative reference and input builder live on the scoring server;
editing this copy changes nothing except your own understanding.
"""

import jax, jax.numpy as jnp
import numpy as np

VOCAB = 1000000
DIM = 64
# calc_sparse_geometry(1000000, 64, density=0.75, blocks=2):
#   w = floor(64/2) = 32; start_ids = [0]; all_params = 32e6
#   w_last = 32; remaining_params = floor(1e6*64*0.75) - 32e6 = 16e6
#   remaining_vocab_last = round(16e6/32) = 500000; start_ids = [0, 500000]
# block_widths = [32, 32]; start_ids = [0, 500000]
START_IDS = [0, 500000]
BLOCK_WIDTHS = [32, 32]


def setup_inputs(seed: int = 0) -> dict:
    key = jax.random.key(seed)
    k1, k2, k3 = jax.random.split(key, 3)
    idx = jax.random.randint(k1, (4096, 200), 0, VOCAB)
    # RawEmbedding.init_weights: uniform(-0.1, 0.1) over trainable rows only
    W0 = jax.random.uniform(k2, (VOCAB - START_IDS[0], BLOCK_WIDTHS[0]), minval=-0.1, maxval=0.1, dtype=jnp.float32)
    W1 = jax.random.uniform(k3, (VOCAB - START_IDS[1], BLOCK_WIDTHS[1]), minval=-0.1, maxval=0.1, dtype=jnp.float32)
    return {"input": idx, "W0": W0, "W1": W1}


def reference(input, W0, W1):
    # Eval mode (dropoute=0, dropouti=0): plain block-wise embedding lookup.
    # Block 0: no prepad, full-vocab table of width 32.
    emb0 = jnp.take(W0, input, axis=0)
    # Block 1: first 500000 rows are zero prepad, remaining 500000 rows trainable.
    total_W1 = jnp.concatenate([jnp.zeros((START_IDS[1], BLOCK_WIDTHS[1]), dtype=W1.dtype), W1], axis=0)
    emb1 = jnp.take(total_W1, input, axis=0)
    # SparseEmbedding concatenates block embeddings along the feature dim.
    return jnp.concatenate([emb0, emb1], axis=-1)

if __name__ == "__main__":
    import jax
    _d = setup_inputs()
    print(jax.jit(kernel)(*tuple(_d.values())))

</pallas_src>

<mosaic_0001>
#map = affine_map<(d0, d1) -> (0)>
#map1 = affine_map<(d0, d1) -> (0, 0)>
module attributes {stable_mosaic.version = 14 : i64} {
  func.func @_sc_body(%arg0: i32, %arg1: i32, %arg2: memref<819200xi32, #tpu.memory_space<hbm>>, %arg3: memref<1000000x32xf32, #tpu.memory_space<hbm>>, %arg4: memref<500000x32xf32, #tpu.memory_space<hbm>>, %arg5: memref<819200x64xf32, #tpu.memory_space<hbm>>, %arg6: memref<512xi32, #tpu.memory_space<vmem>>, %arg7: memref<512xi32, #tpu.memory_space<vmem>>, %arg8: memref<512x32xf32, #tpu.memory_space<vmem>>, %arg9: memref<512x32xf32, #tpu.memory_space<vmem>>, %arg10: memref<!tpu.dma_semaphore, #tpu.memory_space<semaphore_mem>>, %arg11: memref<!tpu.dma_semaphore, #tpu.memory_space<semaphore_mem>>) attributes {dimension_semantics = [#tpu.dimension_semantics<core_parallel>, #tpu.dimension_semantics<subcore_parallel>], iteration_bounds = array<i64: 2, 16>, scalar_prefetch = 0 : i64, scratch_operands = 6 : i64, tpu.core_type = #tpu.core_type<sc_vector_subcore>, window_params = [{transform_indices = #map}, {transform_indices = #map1}, {transform_indices = #map1}, {transform_indices = #map1}]} {
    %mul3A = arith.constant 2 : i32
    %mul3A_0 = arith.muli %arg1, %mul3A : i32
    %add3A = arith.addi %mul3A_0, %arg0 : i32
    %mul3A_1 = arith.constant 25600 : i32
    %mul3A_2 = arith.muli %add3A, %mul3A_1 : i32
    %scan3A = arith.constant 0 : i32
    %scan3A_3 = arith.constant 50 : i32
    %scan3A_4 = arith.addi %scan3A, %scan3A_3 : i32
    %scan3A_5 = arith.constant 1 : i32
    scf.for %scan3A_7 = %scan3A to %scan3A_4 step %scan3A_5  : i32 {
      %mul3A_8 = arith.constant 1 : i32
      %mul3A_9 = arith.muli %scan3A_7, %mul3A_8 : i32
      %add3A_10 = arith.constant 0 : i32
      %add3A_11 = arith.addi %add3A_10, %mul3A_9 : i32
      %mul3A_12 = arith.constant 512 : i32
      %mul3A_13 = arith.muli %add3A_11, %mul3A_12 : i32
      %add3A_14 = arith.addi %mul3A_2, %mul3A_13 : i32
      "tpu.region"() ({
        %run_scoped3A = tpu.sem_alloc : memref<!tpu.dma_semaphore, #tpu.memory_space<semaphore_mem>>
        %dma_start3A_151 = tpu.memref_slice %arg2[%add3A_14] : memref<819200xi32, #tpu.memory_space<hbm>> -> memref<512xi32, #tpu.memory_space<hbm>>
        %dma_start3A_152 = tpu.memref_slice %arg2[%add3A_14] : memref<819200xi32, #tpu.memory_space<hbm>> -> memref<512xi32, #tpu.memory_space<hbm>>
        tpu.enqueue_dma source(%dma_start3A_152 : memref<512xi32, #tpu.memory_space<hbm>>) target(%arg6 : memref<512xi32, #tpu.memory_space<vmem>>) target_semaphore(%run_scoped3A : memref<!tpu.dma_semaphore, #tpu.memory_space<semaphore_mem>>)
        %dma_wait3A_153 = tpu.memref_slice %arg2[%add3A_14] : memref<819200xi32, #tpu.memory_space<hbm>> -> memref<512xi32, #tpu.memory_space<hbm>>
        %dma_wait3A_154 = tpu.memref_slice %arg2[%add3A_14] : memref<819200xi32, #tpu.memory_space<hbm>> -> memref<512xi32, #tpu.memory_space<hbm>>
        tpu.wait_dma2 semaphore(%run_scoped3A : memref<!tpu.dma_semaphore, #tpu.memory_space<semaphore_mem>>) src(%dma_wait3A_154 : memref<512xi32, #tpu.memory_space<hbm>>) dst(%arg6 : memref<512xi32, #tpu.memory_space<vmem>>)
        tpu.yield
      }) : () -> ()
      %scan3A_15 = arith.constant 0 : i32
      %scan3A_16 = arith.constant 32 : i32
      %scan3A_17 = arith.addi %scan3A_15, %scan3A_16 : i32
      %scan3A_18 = arith.constant 1 : i32
      scf.for %scan3A_151 = %scan3A_15 to %scan3A_17 step %scan3A_18  : i32 {
        %mul3A_152 = arith.constant 1 : i32
        %mul3A_153 = arith.muli %scan3A_151, %mul3A_152 : i32
        %add3A_154 = arith.constant 0 : i32
        %add3A_155 = arith.addi %add3A_154, %mul3A_153 : i32
        %mul3A_156 = arith.constant 16 : i32
        %mul3A_157 = arith.muli %add3A_155, %mul3A_156 : i32
        %get3A = arith.index_cast %mul3A_157 : i32 to index
        %get3A_158 = tpu.vector_load %arg6[%get3A] {strides = array<i32>} : memref<512xi32, #tpu.memory_space<vmem>>, vector<16xi32>,
        %get3A_159 = vector.shape_cast %get3A_158 : vector<16xi32> to vector<16xi32>
        %ge3A = arith.constant 500000 : i32
        %ge3A_160 = vector.broadcast %ge3A : i32 to vector<16xi32>
        %ge3A_161 = arith.cmpi sge, %get3A_159, %ge3A_160 : vector<16xi32>
        %sub3A = arith.constant 500000 : i32
        %sub3A_162 = vector.broadcast %sub3A : i32 to vector<16xi32>
        %sub3A_163 = arith.subi %get3A_159, %sub3A_162 : vector<16xi32>
        %select_n3A = arith.select %ge3A_161, %sub3A_163, %get3A_159 : vector<16xi1>, vector<16xi32>
        %mul3A_164 = arith.constant 16 : i32
        %mul3A_165 = arith.muli %add3A_155, %mul3A_164 : i32
        %swap3A = arith.index_cast %mul3A_165 : i32 to index
        %swap3A_166 = tpu.vector_load %arg7[%swap3A] {strides = array<i32>} : memref<512xi32, #tpu.memory_space<vmem>>, vector<16xi32>,
        %swap3A_167 = vector.shape_cast %swap3A_166 : vector<16xi32> to vector<16xi32>
        %swap3A_168 = vector.shape_cast %select_n3A : vector<16xi32> to vector<16xi32>
        tpu.vector_store %arg7[%swap3A], %swap3A_168 {strides = array<i32>} : memref<512xi32, #tpu.memory_space<vmem>>, vector<16xi32>,
      }
      %scan3A_19 = arith.constant 32 : i32
      %dma_start3A = arith.constant 0 : i32
      %dma_start3A_20 = arith.constant 0 : i32
      %dma_start3A_21 = tpu.memref_slice %arg8[%dma_start3A, %dma_start3A_20] : memref<512x32xf32, #tpu.memory_space<vmem>> -> memref<128x32xf32, #tpu.memory_space<vmem>>
      %dma_start3A_22 = arith.constant 0 : i32
      %dma_start3A_23 = tpu.memref_slice %arg6[%dma_start3A_22] : memref<512xi32, #tpu.memory_space<vmem>> -> memref<128xi32, #tpu.memory_space<vmem>>
      %dma_start3A_24 = arith.constant 0 : i32
      %dma_start3A_25 = arith.constant 0 : i32
      %dma_start3A_26 = tpu.memref_slice %arg3[%dma_start3A_24, %dma_start3A_25] : memref<1000000x32xf32, #tpu.memory_space<hbm>> -> memref<1000000x32xf32, #tpu.memory_space<hbm>>
      tpu.enqueue_indirect_dma source(%dma_start3A_26 : memref<1000000x32xf32, #tpu.memory_space<hbm>>) target(%dma_start3A_21 : memref<128x32xf32, #tpu.memory_space<vmem>>) offsets(%dma_start3A_23 : memref<128xi32, #tpu.memory_space<vmem>>) semaphore(%arg10 : memref<!tpu.dma_semaphore, #tpu.memory_space<semaphore_mem>>)
      %dma_start3A_27 = arith.constant 0 : i32
      %dma_start3A_28 = arith.constant 0 : i32
      %dma_start3A_29 = tpu.memref_slice %arg9[%dma_start3A_27, %dma_start3A_28] : memref<512x32xf32, #tpu.memory_space<vmem>> -> memref<128x32xf32, #tpu.memory_space<vmem>>
      %dma_start3A_30 = arith.constant 0 : i32
      %dma_start3A_31 = tpu.memref_slice %arg7[%dma_start3A_30] : memref<512xi32, #tpu.memory_space<vmem>> -> memref<128xi32, #tpu.memory_space<vmem>>
      %dma_start3A_32 = arith.constant 0 : i32
      %dma_start3A_33 = arith.constant 0 : i32
      %dma_start3A_34 = tpu.memref_slice %arg4[%dma_start3A_32, %dma_start3A_33] : memref<500000x32xf32, #tpu.memory_space<hbm>> -> memref<500000x32xf32, #tpu.memory_space<hbm>>
      tpu.enqueue_indirect_dma source(%dma_start3A_34 : memref<500000x32xf32, #tpu.memory_space<hbm>>) target(%dma_start3A_29 : memref<128x32xf32, #tpu.memory_space<vmem>>) offsets(%dma_start3A_31 : memref<128xi32, #tpu.memory_space<vmem>>) semaphore(%arg11 : memref<!tpu.dma_semaphore, #tpu.memory_space<semaphore_mem>>)
      %dma_start3A_35 = arith.constant 128 : i32
      %dma_start3A_36 = arith.constant 0 : i32
      %dma_start3A_37 = tpu.memref_slice %arg8[%dma_start3A_35, %dma_start3A_36] : memref<512x32xf32, #tpu.memory_space<vmem>> -> memref<128x32xf32, #tpu.memory_space<vmem>>
      %dma_start3A_38 = arith.constant 128 : i32
      %dma_start3A_39 = tpu.memref_slice %arg6[%dma_start3A_38] : memref<512xi32, #tpu.memory_space<vmem>> -> memref<128xi32, #tpu.memory_space<vmem>>
      %dma_start3A_40 = arith.constant 0 : i32
      %dma_start3A_41 = arith.constant 0 : i32
      %dma_start3A_42 = tpu.memref_slice %arg3[%dma_start3A_40, %dma_start3A_41] : memref<1000000x32xf32, #tpu.memory_space<hbm>> -> memref<1000000x32xf32, #tpu.memory_space<hbm>>
      tpu.enqueue_indirect_dma source(%dma_start3A_42 : memref<1000000x32xf32, #tpu.memory_space<hbm>>) target(%dma_start3A_37 : memref<128x32xf32, #tpu.memory_space<vmem>>) offsets(%dma_start3A_39 : memref<128xi32, #tpu.memory_space<vmem>>) semaphore(%arg10 : memref<!tpu.dma_semaphore, #tpu.memory_space<semaphore_mem>>)
      %dma_start3A_43 = arith.constant 128 : i32
      %dma_start3A_44 = arith.constant 0 : i32
      %dma_start3A_45 = tpu.memref_slice %arg9[%dma_start3A_43, %dma_start3A_44] : memref<512x32xf32, #tpu.memory_space<vmem>> -> memref<128x32xf32, #tpu.memory_space<vmem>>
      %dma_start3A_46 = arith.constant 128 : i32
      %dma_start3A_47 = tpu.memref_slice %arg7[%dma_start3A_46] : memref<512xi32, #tpu.memory_space<vmem>> -> memref<128xi32, #tpu.memory_space<vmem>>
      %dma_start3A_48 = arith.constant 0 : i32
      %dma_start3A_49 = arith.constant 0 : i32
      %dma_start3A_50 = tpu.memref_slice %arg4[%dma_start3A_48, %dma_start3A_49] : memref<500000x32xf32, #tpu.memory_space<hbm>> -> memref<500000x32xf32, #tpu.memory_space<hbm>>
      tpu.enqueue_indirect_dma source(%dma_start3A_50 : memref<500000x32xf32, #tpu.memory_space<hbm>>) target(%dma_start3A_45 : memref<128x32xf32, #tpu.memory_space<vmem>>) offsets(%dma_start3A_47 : memref<128xi32, #tpu.memory_space<vmem>>) semaphore(%arg11 : memref<!tpu.dma_semaphore, #tpu.memory_space<semaphore_mem>>)
      %dma_start3A_51 = arith.constant 256 : i32
      %dma_start3A_52 = arith.constant 0 : i32
      %dma_start3A_53 = tpu.memref_slice %arg8[%dma_start3A_51, %dma_start3A_52] : memref<512x32xf32, #tpu.memory_space<vmem>> -> memref<128x32xf32, #tpu.memory_space<vmem>>
      %dma_start3A_54 = arith.constant 256 : i32
      %dma_start3A_55 = tpu.memref_slice %arg6[%dma_start3A_54] : memref<512xi32, #tpu.memory_space<vmem>> -> memref<128xi32, #tpu.memory_space<vmem>>
      %dma_start3A_56 = arith.constant 0 : i32
      %dma_start3A_57 = arith.constant 0 : i32
      %dma_start3A_58 = tpu.memref_slice %arg3[%dma_start3A_56, %dma_start3A_57] : memref<1000000x32xf32, #tpu.memory_space<hbm>> -> memref<1000000x32xf32, #tpu.memory_space<hbm>>
      tpu.enqueue_indirect_dma source(%dma_start3A_58 : memref<1000000x32xf32, #tpu.memory_space<hbm>>) target(%dma_start3A_53 : memref<128x32xf32, #tpu.memory_space<vmem>>) offsets(%dma_start3A_55 : memref<128xi32, #tpu.memory_space<vmem>>) semaphore(%arg10 : memref<!tpu.dma_semaphore, #tpu.memory_space<semaphore_mem>>)
      %dma_start3A_59 = arith.constant 256 : i32
      %dma_start3A_60 = arith.constant 0 : i32
      %dma_start3A_61 = tpu.memref_slice %arg9[%dma_start3A_59, %dma_start3A_60] : memref<512x32xf32, #tpu.memory_space<vmem>> -> memref<128x32xf32, #tpu.memory_space<vmem>>
      %dma_start3A_62 = arith.constant 256 : i32
      %dma_start3A_63 = tpu.memref_slice %arg7[%dma_start3A_62] : memref<512xi32, #tpu.memory_space<vmem>> -> memref<128xi32, #tpu.memory_space<vmem>>
      %dma_start3A_64 = arith.constant 0 : i32
      %dma_start3A_65 = arith.constant 0 : i32
      %dma_start3A_66 = tpu.memref_slice %arg4[%dma_start3A_64, %dma_start3A_65] : memref<500000x32xf32, #tpu.memory_space<hbm>> -> memref<500000x32xf32, #tpu.memory_space<hbm>>
      tpu.enqueue_indirect_dma source(%dma_start3A_66 : memref<500000x32xf32, #tpu.memory_space<hbm>>) target(%dma_start3A_61 : memref<128x32xf32, #tpu.memory_space<vmem>>) offsets(%dma_start3A_63 : memref<128xi32, #tpu.memory_space<vmem>>) semaphore(%arg11 : memref<!tpu.dma_semaphore, #tpu.memory_space<semaphore_mem>>)
      %dma_start3A_67 = arith.constant 384 : i32
      %dma_start3A_68 = arith.constant 0 : i32
      %dma_start3A_69 = tpu.memref_slice %arg8[%dma_start3A_67, %dma_start3A_68] : memref<512x32xf32, #tpu.memory_space<vmem>> -> memref<128x32xf32, #tpu.memory_space<vmem>>
      %dma_start3A_70 = arith.constant 384 : i32
      %dma_start3A_71 = tpu.memref_slice %arg6[%dma_start3A_70] : memref<512xi32, #tpu.memory_space<vmem>> -> memref<128xi32, #tpu.memory_space<vmem>>
      %dma_start3A_72 = arith.constant 0 : i32
      %dma_start3A_73 = arith.constant 0 : i32
      %dma_start3A_74 = tpu.memref_slice %arg3[%dma_start3A_72, %dma_start3A_73] : memref<1000000x32xf32, #tpu.memory_space<hbm>> -> memref<1000000x32xf32, #tpu.memory_space<hbm>>
      tpu.enqueue_indirect_dma source(%dma_start3A_74 : memref<1000000x32xf32, #tpu.memory_space<hbm>>) target(%dma_start3A_69 : memref<128x32xf32, #tpu.memory_space<vmem>>) offsets(%dma_start3A_71 : memref<128xi32, #tpu.memory_space<vmem>>) semaphore(%arg10 : memref<!tpu.dma_semaphore, #tpu.memory_space<semaphore_mem>>)
      %dma_start3A_75 = arith.constant 384 : i32
      %dma_start3A_76 = arith.constant 0 : i32
      %dma_start3A_77 = tpu.memref_slice %arg9[%dma_start3A_75, %dma_start3A_76] : memref<512x32xf32, #tpu.memory_space<vmem>> -> memref<128x32xf32, #tpu.memory_space<vmem>>
      %dma_start3A_78 = arith.constant 384 : i32
      %dma_start3A_79 = tpu.memref_slice %arg7[%dma_start3A_78] : memref<512xi32, #tpu.memory_space<vmem>> -> memref<128xi32, #tpu.memory_space<vmem>>
      %dma_start3A_80 = arith.constant 0 : i32
      %dma_start3A_81 = arith.constant 0 : i32
      %dma_start3A_82 = tpu.memref_slice %arg4[%dma_start3A_80, %dma_start3A_81] : memref<500000x32xf32, #tpu.memory_space<hbm>> -> memref<500000x32xf32, #tpu.memory_space<hbm>>
      tpu.enqueue_indirect_dma source(%dma_start3A_82 : memref<500000x32xf32, #tpu.memory_space<hbm>>) target(%dma_start3A_77 : memref<128x32xf32, #tpu.memory_space<vmem>>) offsets(%dma_start3A_79 : memref<128xi32, #tpu.memory_space<vmem>>) semaphore(%arg11 : memref<!tpu.dma_semaphore, #tpu.memory_space<semaphore_mem>>)
      %dma_wait3A = arith.constant 0 : i32
      %dma_wait3A_83 = arith.constant 0 : i32
      %dma_wait3A_84 = tpu.memref_slice %arg8[%dma_wait3A, %dma_wait3A_83] : memref<512x32xf32, #tpu.memory_space<vmem>> -> memref<128x32xf32, #tpu.memory_space<vmem>>
      %dma_wait3A_85 = arith.constant 0 : i32
      %dma_wait3A_86 = tpu.memref_slice %arg6[%dma_wait3A_85] : memref<512xi32, #tpu.memory_space<vmem>> -> memref<128xi32, #tpu.memory_space<vmem>>
      %dma_wait3A_87 = arith.constant 0 : i32
      %dma_wait3A_88 = arith.constant 0 : i32
      %dma_wait3A_89 = tpu.memref_slice %arg3[%dma_wait3A_87, %dma_wait3A_88] : memref<1000000x32xf32, #tpu.memory_space<hbm>> -> memref<1000000x32xf32, #tpu.memory_space<hbm>>
      tpu.wait_indirect_dma semaphore(%arg10 : memref<!tpu.dma_semaphore, #tpu.memory_space<semaphore_mem>>) src(%dma_wait3A_89 : memref<1000000x32xf32, #tpu.memory_space<hbm>>) dst(%dma_wait3A_84 : memref<128x32xf32, #tpu.memory_space<vmem>>)
      %dma_wait3A_90 = arith.constant 0 : i32
      %dma_wait3A_91 = arith.constant 0 : i32
      %dma_wait3A_92 = tpu.memref_slice %arg9[%dma_wait3A_90, %dma_wait3A_91] : memref<512x32xf32, #tpu.memory_space<vmem>> -> memref<128x32xf32, #tpu.memory_space<vmem>>
      %dma_wait3A_93 = arith.constant 0 : i32
      %dma_wait3A_94 = tpu.memref_slice %arg7[%dma_wait3A_93] : memref<512xi32, #tpu.memory_space<vmem>> -> memref<128xi32, #tpu.memory_space<vmem>>
      %dma_wait3A_95 = arith.constant 0 : i32
      %dma_wait3A_96 = arith.constant 0 : i32
      %dma_wait3A_97 = tpu.memref_slice %arg4[%dma_wait3A_95, %dma_wait3A_96] : memref<500000x32xf32, #tpu.memory_space<hbm>> -> memref<500000x32xf32, #tpu.memory_space<hbm>>
      tpu.wait_indirect_dma semaphore(%arg11 : memref<!tpu.dma_semaphore, #tpu.memory_space<semaphore_mem>>) src(%dma_wait3A_97 : memref<500000x32xf32, #tpu.memory_space<hbm>>) dst(%dma_wait3A_92 : memref<128x32xf32, #tpu.memory_space<vmem>>)
      %dma_wait3A_98 = arith.constant 128 : i32
      %dma_wait3A_99 = arith.constant 0 : i32
      %dma_wait3A_100 = tpu.memref_slice %arg8[%dma_wait3A_98, %dma_wait3A_99] : memref<512x32xf32, #tpu.memory_space<vmem>> -> memref<128x32xf32, #tpu.memory_space<vmem>>
      %dma_wait3A_101 = arith.constant 128 : i32
      %dma_wait3A_102 = tpu.memref_slice %arg6[%dma_wait3A_101] : memref<512xi32, #tpu.memory_space<vmem>> -> memref<128xi32, #tpu.memory_space<vmem>>
      %dma_wait3A_103 = arith.constant 0 : i32
      %dma_wait3A_104 = arith.constant 0 : i32
      %dma_wait3A_105 = tpu.memref_slice %arg3[%dma_wait3A_103, %dma_wait3A_104] : memref<1000000x32xf32, #tpu.memory_space<hbm>> -> memref<1000000x32xf32, #tpu.memory_space<hbm>>
      tpu.wait_indirect_dma semaphore(%arg10 : memref<!tpu.dma_semaphore, #tpu.memory_space<semaphore_mem>>) src(%dma_wait3A_105 : memref<1000000x32xf32, #tpu.memory_space<hbm>>) dst(%dma_wait3A_100 : memref<128x32xf32, #tpu.memory_space<vmem>>)
      %dma_wait3A_106 = arith.constant 128 : i32
      %dma_wait3A_107 = arith.constant 0 : i32
      %dma_wait3A_108 = tpu.memref_slice %arg9[%dma_wait3A_106, %dma_wait3A_107] : memref<512x32xf32, #tpu.memory_space<vmem>> -> memref<128x32xf32, #tpu.memory_space<vmem>>
      %dma_wait3A_109 = arith.constant 128 : i32
      %dma_wait3A_110 = tpu.memref_slice %arg7[%dma_wait3A_109] : memref<512xi32, #tpu.memory_space<vmem>> -> memref<128xi32, #tpu.memory_space<vmem>>
      %dma_wait3A_111 = arith.constant 0 : i32
      %dma_wait3A_112 = arith.constant 0 : i32
      %dma_wait3A_113 = tpu.memref_slice %arg4[%dma_wait3A_111, %dma_wait3A_112] : memref<500000x32xf32, #tpu.memory_space<hbm>> -> memref<500000x32xf32, #tpu.memory_space<hbm>>
      tpu.wait_indirect_dma semaphore(%arg11 : memref<!tpu.dma_semaphore, #tpu.memory_space<semaphore_mem>>) src(%dma_wait3A_113 : memref<500000x32xf32, #tpu.memory_space<hbm>>) dst(%dma_wait3A_108 : memref<128x32xf32, #tpu.memory_space<vmem>>)
      %dma_wait3A_114 = arith.constant 256 : i32
      %dma_wait3A_115 = arith.constant 0 : i32
      %dma_wait3A_116 = tpu.memref_slice %arg8[%dma_wait3A_114, %dma_wait3A_115] : memref<512x32xf32, #tpu.memory_space<vmem>> -> memref<128x32xf32, #tpu.memory_space<vmem>>
      %dma_wait3A_117 = arith.constant 256 : i32
      %dma_wait3A_118 = tpu.memref_slice %arg6[%dma_wait3A_117] : memref<512xi32, #tpu.memory_space<vmem>> -> memref<128xi32, #tpu.memory_space<vmem>>
      %dma_wait3A_119 = arith.constant 0 : i32
      %dma_wait3A_120 = arith.constant 0 : i32
      %dma_wait3A_121 = tpu.memref_slice %arg3[%dma_wait3A_119, %dma_wait3A_120] : memref<1000000x32xf32, #tpu.memory_space<hbm>> -> memref<1000000x32xf32, #tpu.memory_space<hbm>>
      tpu.wait_indirect_dma semaphore(%arg10 : memref<!tpu.dma_semaphore, #tpu.memory_space<semaphore_mem>>) src(%dma_wait3A_121 : memref<1000000x32xf32, #tpu.memory_space<hbm>>) dst(%dma_wait3A_116 : memref<128x32xf32, #tpu.memory_space<vmem>>)
      %dma_wait3A_122 = arith.constant 256 : i32
      %dma_wait3A_123 = arith.constant 0 : i32
      %dma_wait3A_124 = tpu.memref_slice %arg9[%dma_wait3A_122, %dma_wait3A_123] : memref<512x32xf32, #tpu.memory_space<vmem>> -> memref<128x32xf32, #tpu.memory_space<vmem>>
      %dma_wait3A_125 = arith.constant 256 : i32
      %dma_wait3A_126 = tpu.memref_slice %arg7[%dma_wait3A_125] : memref<512xi32, #tpu.memory_space<vmem>> -> memref<128xi32, #tpu.memory_space<vmem>>
      %dma_wait3A_127 = arith.constant 0 : i32
      %dma_wait3A_128 = arith.constant 0 : i32
      %dma_wait3A_129 = tpu.memref_slice %arg4[%dma_wait3A_127, %dma_wait3A_128] : memref<500000x32xf32, #tpu.memory_space<hbm>> -> memref<500000x32xf32, #tpu.memory_space<hbm>>
      tpu.wait_indirect_dma semaphore(%arg11 : memref<!tpu.dma_semaphore, #tpu.memory_space<semaphore_mem>>) src(%dma_wait3A_129 : memref<500000x32xf32, #tpu.memory_space<hbm>>) dst(%dma_wait3A_124 : memref<128x32xf32, #tpu.memory_space<vmem>>)
      %dma_wait3A_130 = arith.constant 384 : i32
      %dma_wait3A_131 = arith.constant 0 : i32
      %dma_wait3A_132 = tpu.memref_slice %arg8[%dma_wait3A_130, %dma_wait3A_131] : memref<512x32xf32, #tpu.memory_space<vmem>> -> memref<128x32xf32, #tpu.memory_space<vmem>>
      %dma_wait3A_133 = arith.constant 384 : i32
      %dma_wait3A_134 = tpu.memref_slice %arg6[%dma_wait3A_133] : memref<512xi32, #tpu.memory_space<vmem>> -> memref<128xi32, #tpu.memory_space<vmem>>
      %dma_wait3A_135 = arith.constant 0 : i32
      %dma_wait3A_136 = arith.constant 0 : i32
      %dma_wait3A_137 = tpu.memref_slice %arg3[%dma_wait3A_135, %dma_wait3A_136] : memref<1000000x32xf32, #tpu.memory_space<hbm>> -> memref<1000000x32xf32, #tpu.memory_space<hbm>>
      tpu.wait_indirect_dma semaphore(%arg10 : memref<!tpu.dma_semaphore, #tpu.memory_space<semaphore_mem>>) src(%dma_wait3A_137 : memref<1000000x32xf32, #tpu.memory_space<hbm>>) dst(%dma_wait3A_132 : memref<128x32xf32, #tpu.memory_space<vmem>>)
      %dma_wait3A_138 = arith.constant 384 : i32
      %dma_wait3A_139 = arith.constant 0 : i32
      %dma_wait3A_140 = tpu.memref_slice %arg9[%dma_wait3A_138, %dma_wait3A_139] : memref<512x32xf32, #tpu.memory_space<vmem>> -> memref<128x32xf32, #tpu.memory_space<vmem>>
      %dma_wait3A_141 = arith.constant 384 : i32
      %dma_wait3A_142 = tpu.memref_slice %arg7[%dma_wait3A_141] : memref<512xi32, #tpu.memory_space<vmem>> -> memref<128xi32, #tpu.memory_space<vmem>>
      %dma_wait3A_143 = arith.constant 0 : i32
      %dma_wait3A_144 = arith.constant 0 : i32
      %dma_wait3A_145 = tpu.memref_slice %arg4[%dma_wait3A_143, %dma_wait3A_144] : memref<500000x32xf32, #tpu.memory_space<hbm>> -> memref<500000x32xf32, #tpu.memory_space<hbm>>
      tpu.wait_indirect_dma semaphore(%arg11 : memref<!tpu.dma_semaphore, #tpu.memory_space<semaphore_mem>>) src(%dma_wait3A_145 : memref<500000x32xf32, #tpu.memory_space<hbm>>) dst(%dma_wait3A_140 : memref<128x32xf32, #tpu.memory_space<vmem>>)
      %scan3A_146 = arith.constant 0 : i32
      %scan3A_147 = arith.constant 32 : i32
      %scan3A_148 = arith.addi %scan3A_146, %scan3A_147 : i32
      %scan3A_149 = arith.constant 1 : i32
      scf.for %scan3A_151 = %scan3A_146 to %scan3A_148 step %scan3A_149  : i32 {
        %mul3A_152 = arith.constant 16 : i32
        %mul3A_153 = arith.muli %scan3A_151, %mul3A_152 : i32
        %add3A_154 = arith.constant 0 : i32
        %add3A_155 = arith.addi %add3A_154, %mul3A_153 : i32
        %get3A = arith.index_cast %add3A_155 : i32 to index
        %get3A_156 = tpu.vector_load %arg6[%get3A] {strides = array<i32>} : memref<512xi32, #tpu.memory_space<vmem>>, vector<16xi32>,
        %get3A_157 = vector.shape_cast %get3A_156 : vector<16xi32> to vector<16xi32>
        %ge3A = arith.constant 500000 : i32
        %ge3A_158 = vector.broadcast %ge3A : i32 to vector<16xi32>
        %ge3A_159 = arith.cmpi sge, %get3A_157, %ge3A_158 : vector<16xi32>
        %jit3A = arith.constant 1.000000e+00 : f32
        %jit3A_160 = arith.constant 0.000000e+00 : f32
        %broadcast_in_dim3A = vector.broadcast %jit3A : f32 to vector<16xf32>
        %broadcast_in_dim3A_161 = vector.broadcast %jit3A_160 : f32 to vector<16xf32>
        %select_n3A = arith.select %ge3A_159, %broadcast_in_dim3A, %broadcast_in_dim3A_161 : vector<16xi1>, vector<16xf32>
        %add3A_162 = arith.constant 0 : i32
        %add3A_163 = arith.addi %add3A_155, %add3A_162 : i32
        %get3A_164 = arith.index_cast %add3A_163 : i32 to index
        %get3A_165 = arith.constant 0 : index
        %get3A_166 = tpu.vector_load %arg9[%get3A_164, %get3A_165] {strides = array<i32>} : memref<512x32xf32, #tpu.memory_space<vmem>>, vector<1x16xf32>,
        %get3A_167 = vector.shape_cast %get3A_166 : vector<1x16xf32> to vector<16xf32>
        %get3A_168 = arith.index_cast %add3A_163 : i32 to index
        %get3A_169 = arith.constant 16 : index
        %get3A_170 = tpu.vector_load %arg9[%get3A_168, %get3A_169] {strides = array<i32>} : memref<512x32xf32, #tpu.memory_space<vmem>>, vector<1x16xf32>,
        %get3A_171 = vector.shape_cast %get3A_170 : vector<1x16xf32> to vector<16xf32>
        %slice3A = vector.extract_strided_slice %select_n3A {offsets = [0], sizes = [1], strides = [1]} : vector<16xf32> to vector<1xf32>
        %squeeze3A = vector.extract %slice3A[0] : f32 from vector<1xf32>
        %mul3A_172 = vector.broadcast %squeeze3A : f32 to vector<16xf32>
        %mul3A_173 = arith.mulf %get3A_167, %mul3A_172 : vector<16xf32>
        %swap3A = arith.index_cast %add3A_163 : i32 to index
        %swap3A_174 = arith.constant 0 : index
        %swap3A_175 = tpu.vector_load %arg9[%swap3A, %swap3A_174] {strides = array<i32>} : memref<512x32xf32, #tpu.memory_space<vmem>>, vector<1x16xf32>,
        %swap3A_176 = vector.shape_cast %swap3A_175 : vector<1x16xf32> to vector<16xf32>
        %swap3A_177 = vector.shape_cast %mul3A_173 : vector<16xf32> to vector<1x16xf32>
        tpu.vector_store %arg9[%swap3A, %swap3A_174], %swap3A_177 {strides = array<i32>} : memref<512x32xf32, #tpu.memory_space<vmem>>, vector<1x16xf32>,
        %slice3A_178 = vector.extract_strided_slice %select_n3A {offsets = [0], sizes = [1], strides = [1]} : vector<16xf32> to vector<1xf32>
        %squeeze3A_179 = vector.extract %slice3A_178[0] : f32 from vector<1xf32>
        %mul3A_180 = vector.broadcast %squeeze3A_179 : f32 to vector<16xf32>
        %mul3A_181 = arith.mulf %get3A_171, %mul3A_180 : vector<16xf32>
        %swap3A_182 = arith.index_cast %add3A_163 : i32 to index
        %swap3A_183 = arith.constant 16 : index
        %swap3A_184 = tpu.vector_load %arg9[%swap3A_182, %swap3A_183] {strides = array<i32>} : memref<512x32xf32, #tpu.memory_space<vmem>>, vector<1x16xf32>,
        %swap3A_185 = vector.shape_cast %swap3A_184 : vector<1x16xf32> to vector<16xf32>
        %swap3A_186 = vector.shape_cast %mul3A_181 : vector<16xf32> to vector<1x16xf32>
        tpu.vector_store %arg9[%swap3A_182, %swap3A_183], %swap3A_186 {strides = array<i32>} : memref<512x32xf32, #tpu.memory_space<vmem>>, vector<1x16xf32>,
        %add3A_187 = arith.constant 1 : i32
        %add3A_188 = arith.addi %add3A_155, %add3A_187 : i32
        %get3A_189 = arith.index_cast %add3A_188 : i32 to index
        %get3A_190 = arith.constant 0 : index
        %get3A_191 = tpu.vector_load %arg9[%get3A_189, %get3A_190] {strides = array<i32>} : memref<512x32xf32, #tpu.memory_space<vmem>>, vector<1x16xf32>,
        %get3A_192 = vector.shape_cast %get3A_191 : vector<1x16xf32> to vector<16xf32>
        %get3A_193 = arith.index_cast %add3A_188 : i32 to index
        %get3A_194 = arith.constant 16 : index
        %get3A_195 = tpu.vector_load %arg9[%get3A_193, %get3A_194] {strides = array<i32>} : memref<512x32xf32, #tpu.memory_space<vmem>>, vector<1x16xf32>,
        %get3A_196 = vector.shape_cast %get3A_195 : vector<1x16xf32> to vector<16xf32>
        %slice3A_197 = vector.extract_strided_slice %select_n3A {offsets = [1], sizes = [1], strides = [1]} : vector<16xf32> to vector<1xf32>
        %squeeze3A_198 = vector.extract %slice3A_197[0] : f32 from vector<1xf32>
        %mul3A_199 = vector.broadcast %squeeze3A_198 : f32 to vector<16xf32>
        %mul3A_200 = arith.mulf %get3A_192, %mul3A_199 : vector<16xf32>
        %swap3A_201 = arith.index_cast %add3A_188 : i32 to index
        %swap3A_202 = arith.constant 0 : index
        %swap3A_203 = tpu.vector_load %arg9[%swap3A_201, %swap3A_202] {strides = array<i32>} : memref<512x32xf32, #tpu.memory_space<vmem>>, vector<1x16xf32>,
        %swap3A_204 = vector.shape_cast %swap3A_203 : vector<1x16xf32> to vector<16xf32>
        %swap3A_205 = vector.shape_cast %mul3A_200 : vector<16xf32> to vector<1x16xf32>
        tpu.vector_store %arg9[%swap3A_201, %swap3A_202], %swap3A_205 {strides = array<i32>} : memref<512x32xf32, #tpu.memory_space<vmem>>, vector<1x16xf32>,
        %slice3A_206 = vector.extract_strided_slice %select_n3A {offsets = [1], sizes = [1], strides = [1]} : vector<16xf32> to vector<1xf32>
        %squeeze3A_207 = vector.extract %slice3A_206[0] : f32 from vector<1xf32>
        %mul3A_208 = vector.broadcast %squeeze3A_207 : f32 to vector<16xf32>
        %mul3A_209 = arith.mulf %get3A_196, %mul3A_208 : vector<16xf32>
        %swap3A_210 = arith.index_cast %add3A_188 : i32 to index
        %swap3A_211 = arith.constant 16 : index
        %swap3A_212 = tpu.vector_load %arg9[%swap3A_210, %swap3A_211] {strides = array<i32>} : memref<512x32xf32, #tpu.memory_space<vmem>>, vector<1x16xf32>,
        %swap3A_213 = vector.shape_cast %swap3A_212 : vector<1x16xf32> to vector<16xf32>
        %swap3A_214 = vector.shape_cast %mul3A_209 : vector<16xf32> to vector<1x16xf32>
        tpu.vector_store %arg9[%swap3A_210, %swap3A_211], %swap3A_214 {strides = array<i32>} : memref<512x32xf32, #tpu.memory_space<vmem>>, vector<1x16xf32>,
        %add3A_215 = arith.constant 2 : i32
        %add3A_216 = arith.addi %add3A_155, %add3A_215 : i32
        %get3A_217 = arith.index_cast %add3A_216 : i32 to index
        %get3A_218 = arith.constant 0 : index
        %get3A_219 = tpu.vector_load %arg9[%get3A_217, %get3A_218] {strides = array<i32>} : memref<512x32xf32, #tpu.memory_space<vmem>>, vector<1x16xf32>,
        %get3A_220 = vector.shape_cast %get3A_219 : vector<1x16xf32> to vector<16xf32>
        %get3A_221 = arith.index_cast %add3A_216 : i32 to index
        %get3A_222 = arith.constant 16 : index
        %get3A_223 = tpu.vector_load %arg9[%get3A_221, %get3A_222] {strides = array<i32>} : memref<512x32xf32, #tpu.memory_space<vmem>>, vector<1x16xf32>,
        %get3A_224 = vector.shape_cast %get3A_223 : vector<1x16xf32> to vector<16xf32>
        %slice3A_225 = vector.extract_strided_slice %select_n3A {offsets = [2], sizes = [1], strides = [1]} : vector<16xf32> to vector<1xf32>
        %squeeze3A_226 = vector.extract %slice3A_225[0] : f32 from vector<1xf32>
        %mul3A_227 = vector.broadcast %squeeze3A_226 : f32 to vector<16xf32>
        %mul3A_228 = arith.mulf %get3A_220, %mul3A_227 : vector<16xf32>
        %swap3A_229 = arith.index_cast %add3A_216 : i32 to index
        %swap3A_230 = arith.constant 0 : index
        %swap3A_231 = tpu.vector_load %arg9[%swap3A_229, %swap3A_230] {strides = array<i32>} : memref<512x32xf32, #tpu.memory_space<vmem>>, vector<1x16xf32>,
        %swap3A_232 = vector.shape_cast %swap3A_231 : vector<1x16xf32> to vector<16xf32>
        %swap3A_233 = vector.shape_cast %mul3A_228 : vector<16xf32> to vector<1x16xf32>
        tpu.vector_store %arg9[%swap3A_229, %swap3A_230], %swap3A_233 {strides = array<i32>} : memref<512x32xf32, #tpu.memory_space<vmem>>, vector<1x16xf32>,
        %slice3A_234 = vector.extract_strided_slice %select_n3A {offsets = [2], sizes = [1], strides = [1]} : vector<16xf32> to vector<1xf32>
        %squeeze3A_235 = vector.extract %slice3A_234[0] : f32 from vector<1xf32>
        %mul3A_236 = vector.broadcast %squeeze3A_235 : f32 to vector<16xf32>
        %mul3A_237 = arith.mulf %get3A_224, %mul3A_236 : vector<16xf32>
        %swap3A_238 = arith.index_cast %add3A_216 : i32 to index
        %swap3A_239 = arith.constant 16 : index
        %swap3A_240 = tpu.vector_load %arg9[%swap3A_238, %swap3A_239] {strides = array<i32>} : memref<512x32xf32, #tpu.memory_space<vmem>>, vector<1x16xf32>,
        %swap3A_241 = vector.shape_cast %swap3A_240 : vector<1x16xf32> to vector<16xf32>
        %swap3A_242 = vector.shape_cast %mul3A_237 : vector<16xf32> to vector<1x16xf32>
        tpu.vector_store %arg9[%swap3A_238, %swap3A_239], %swap3A_242 {strides = array<i32>} : memref<512x32xf32, #tpu.memory_space<vmem>>, vector<1x16xf32>,
        %add3A_243 = arith.constant 3 : i32
        %add3A_244 = arith.addi %add3A_155, %add3A_243 : i32
        %get3A_245 = arith.index_cast %add3A_244 : i32 to index
        %get3A_246 = arith.constant 0 : index
        %get3A_247 = tpu.vector_load %arg9[%get3A_245, %get3A_246] {strides = array<i32>} : memref<512x32xf32, #tpu.memory_space<vmem>>, vector<1x16xf32>,
        %get3A_248 = vector.shape_cast %get3A_247 : vector<1x16xf32> to vector<16xf32>
        %get3A_249 = arith.index_cast %add3A_244 : i32 to index
        %get3A_250 = arith.constant 16 : index
        %get3A_251 = tpu.vector_load %arg9[%get3A_249, %get3A_250] {strides = array<i32>} : memref<512x32xf32, #tpu.memory_space<vmem>>, vector<1x16xf32>,
        %get3A_252 = vector.shape_cast %get3A_251 : vector<1x16xf32> to vector<16xf32>
        %slice3A_253 = vector.extract_strided_slice %select_n3A {offsets = [3], sizes = [1], strides = [1]} : vector<16xf32> to vector<1xf32>
        %squeeze3A_254 = vector.extract %slice3A_253[0] : f32 from vector<1xf32>
        %mul3A_255 = vector.broadcast %squeeze3A_254 : f32 to vector<16xf32>
        %mul3A_256 = arith.mulf %get3A_248, %mul3A_255 : vector<16xf32>
        %swap3A_257 = arith.index_cast %add3A_244 : i32 to index
        %swap3A_258 = arith.constant 0 : index
        %swap3A_259 = tpu.vector_load %arg9[%swap3A_257, %swap3A_258] {strides = array<i32>} : memref<512x32xf32, #tpu.memory_space<vmem>>, vector<1x16xf32>,
        %swap3A_260 = vector.shape_cast %swap3A_259 : vector<1x16xf32> to vector<16xf32>
        %swap3A_261 = vector.shape_cast %mul3A_256 : vector<16xf32> to vector<1x16xf32>
        tpu.vector_store %arg9[%swap3A_257, %swap3A_258], %swap3A_261 {strides = array<i32>} : memref<512x32xf32, #tpu.memory_space<vmem>>, vector<1x16xf32>,
        %slice3A_262 = vector.extract_strided_slice %select_n3A {offsets = [3], sizes = [1], strides = [1]} : vector<16xf32> to vector<1xf32>
        %squeeze3A_263 = vector.extract %slice3A_262[0] : f32 from vector<1xf32>
        %mul3A_264 = vector.broadcast %squeeze3A_263 : f32 to vector<16xf32>
        %mul3A_265 = arith.mulf %get3A_252, %mul3A_264 : vector<16xf32>
        %swap3A_266 = arith.index_cast %add3A_244 : i32 to index
        %swap3A_267 = arith.constant 16 : index
        %swap3A_268 = tpu.vector_load %arg9[%swap3A_266, %swap3A_267] {strides = array<i32>} : memref<512x32xf32, #tpu.memory_space<vmem>>, vector<1x16xf32>,
        %swap3A_269 = vector.shape_cast %swap3A_268 : vector<1x16xf32> to vector<16xf32>
        %swap3A_270 = vector.shape_cast %mul3A_265 : vector<16xf32> to vector<1x16xf32>
        tpu.vector_store %arg9[%swap3A_266, %swap3A_267], %swap3A_270 {strides = array<i32>} : memref<512x32xf32, #tpu.memory_space<vmem>>, vector<1x16xf32>,
        %add3A_271 = arith.constant 4 : i32
        %add3A_272 = arith.addi %add3A_155, %add3A_271 : i32
        %get3A_273 = arith.index_cast %add3A_272 : i32 to index
        %get3A_274 = arith.constant 0 : index
        %get3A_275 = tpu.vector_load %arg9[%get3A_273, %get3A_274] {strides = array<i32>} : memref<512x32xf32, #tpu.memory_space<vmem>>, vector<1x16xf32>,
        %get3A_276 = vector.shape_cast %get3A_275 : vector<1x16xf32> to vector<16xf32>
        %get3A_277 = arith.index_cast %add3A_272 : i32 to index
        %get3A_278 = arith.constant 16 : index
        %get3A_279 = tpu.vector_load %arg9[%get3A_277, %get3A_278] {strides = array<i32>} : memref<512x32xf32, #tpu.memory_space<vmem>>, vector<1x16xf32>,
        %get3A_280 = vector.shape_cast %get3A_279 : vector<1x16xf32> to vector<16xf32>
        %slice3A_281 = vector.extract_strided_slice %select_n3A {offsets = [4], sizes = [1], strides = [1]} : vector<16xf32> to vector<1xf32>
        %squeeze3A_282 = vector.extract %slice3A_281[0] : f32 from vector<1xf32>
        %mul3A_283 = vector.broadcast %squeeze3A_282 : f32 to vector<16xf32>
        %mul3A_284 = arith.mulf %get3A_276, %mul3A_283 : vector<16xf32>
        %swap3A_285 = arith.index_cast %add3A_272 : i32 to index
        %swap3A_286 = arith.constant 0 : index
        %swap3A_287 = tpu.vector_load %arg9[%swap3A_285, %swap3A_286] {strides = array<i32>} : memref<512x32xf32, #tpu.memory_space<vmem>>, vector<1x16xf32>,
        %swap3A_288 = vector.shape_cast %swap3A_287 : vector<1x16xf32> to vector<16xf32>
        %swap3A_289 = vector.shape_cast %mul3A_284 : vector<16xf32> to vector<1x16xf32>
        tpu.vector_store %arg9[%swap3A_285, %swap3A_286], %swap3A_289 {strides = array<i32>} : memref<512x32xf32, #tpu.memory_space<vmem>>, vector<1x16xf32>,
        %slice3A_290 = vector.extract_strided_slice %select_n3A {offsets = [4], sizes = [1], strides = [1]} : vector<16xf32> to vector<1xf32>
        %squeeze3A_291 = vector.extract %slice3A_290[0] : f32 from vector<1xf32>
        %mul3A_292 = vector.broadcast %squeeze3A_291 : f32 to vector<16xf32>
        %mul3A_293 = arith.mulf %get3A_280, %mul3A_292 : vector<16xf32>
        %swap3A_294 = arith.index_cast %add3A_272 : i32 to index
        %swap3A_295 = arith.constant 16 : index
        %swap3A_296 = tpu.vector_load %arg9[%swap3A_294, %swap3A_295] {strides = array<i32>} : memref<512x32xf32, #tpu.memory_space<vmem>>, vector<1x16xf32>,
        %swap3A_297 = vector.shape_cast %swap3A_296 : vector<1x16xf32> to vector<16xf32>
        %swap3A_298 = vector.shape_cast %mul3A_293 : vector<16xf32> to vector<1x16xf32>
        tpu.vector_store %arg9[%swap3A_294, %swap3A_295], %swap3A_298 {strides = array<i32>} : memref<512x32xf32, #tpu.memory_space<vmem>>, vector<1x16xf32>,
        %add3A_299 = arith.constant 5 : i32
        %add3A_300 = arith.addi %add3A_155, %add3A_299 : i32
        %get3A_301 = arith.index_cast %add3A_300 : i32 to index
        %get3A_302 = arith.constant 0 : index
        %get3A_303 = tpu.vector_load %arg9[%get3A_301, %get3A_302] {strides = array<i32>} : memref<512x32xf32, #tpu.memory_space<vmem>>, vector<1x16xf32>,
        %get3A_304 = vector.shape_cast %get3A_303 : vector<1x16xf32> to vector<16xf32>
        %get3A_305 = arith.index_cast %add3A_300 : i32 to index
        %get3A_306 = arith.constant 16 : index
        %get3A_307 = tpu.vector_load %arg9[%get3A_305, %get3A_306] {strides = array<i32>} : memref<512x32xf32, #tpu.memory_space<vmem>>, vector<1x16xf32>,
        %get3A_308 = vector.shape_cast %get3A_307 : vector<1x16xf32> to vector<16xf32>
        %slice3A_309 = vector.extract_strided_slice %select_n3A {offsets = [5], sizes = [1], strides = [1]} : vector<16xf32> to vector<1xf32>
        %squeeze3A_310 = vector.extract %slice3A_309[0] : f32 from vector<1xf32>
        %mul3A_311 = vector.broadcast %squeeze3A_310 : f32 to vector<16xf32>
        %mul3A_312 = arith.mulf %get3A_304, %mul3A_311 : vector<16xf32>
        %swap3A_313 = arith.index_cast %add3A_300 : i32 to index
        %swap3A_314 = arith.constant 0 : index
        %swap3A_315 = tpu.vector_load %arg9[%swap3A_313, %swap3A_314] {strides = array<i32>} : memref<512x32xf32, #tpu.memory_space<vmem>>, vector<1x16xf32>,
        %swap3A_316 = vector.shape_cast %swap3A_315 : vector<1x16xf32> to vector<16xf32>
        %swap3A_317 = vector.shape_cast %mul3A_312 : vector<16xf32> to vector<1x16xf32>
        tpu.vector_store %arg9[%swap3A_313, %swap3A_314], %swap3A_317 {strides = array<i32>} : memref<512x32xf32, #tpu.memory_space<vmem>>, vector<1x16xf32>,
        %slice3A_318 = vector.extract_strided_slice %select_n3A {offsets = [5], sizes = [1], strides = [1]} : vector<16xf32> to vector<1xf32>
        %squeeze3A_319 = vector.extract %slice3A_318[0] : f32 from vector<1xf32>
        %mul3A_320 = vector.broadcast %squeeze3A_319 : f32 to vector<16xf32>
        %mul3A_321 = arith.mulf %get3A_308, %mul3A_320 : vector<16xf32>
        %swap3A_322 = arith.index_cast %add3A_300 : i32 to index
        %swap3A_323 = arith.constant 16 : index
        %swap3A_324 = tpu.vector_load %arg9[%swap3A_322, %swap3A_323] {strides = array<i32>} : memref<512x32xf32, #tpu.memory_space<vmem>>, vector<1x16xf32>,
        %swap3A_325 = vector.shape_cast %swap3A_324 : vector<1x16xf32> to vector<16xf32>
        %swap3A_326 = vector.shape_cast %mul3A_321 : vector<16xf32> to vector<1x16xf32>
        tpu.vector_store %arg9[%swap3A_322, %swap3A_323], %swap3A_326 {strides = array<i32>} : memref<512x32xf32, #tpu.memory_space<vmem>>, vector<1x16xf32>,
        %add3A_327 = arith.constant 6 : i32
        %add3A_328 = arith.addi %add3A_155, %add3A_327 : i32
        %get3A_329 = arith.index_cast %add3A_328 : i32 to index
        %get3A_330 = arith.constant 0 : index
        %get3A_331 = tpu.vector_load %arg9[%get3A_329, %get3A_330] {strides = array<i32>} : memref<512x32xf32, #tpu.memory_space<vmem>>, vector<1x16xf32>,
        %get3A_332 = vector.shape_cast %get3A_331 : vector<1x16xf32> to vector<16xf32>
        %get3A_333 = arith.index_cast %add3A_328 : i32 to index
        %get3A_334 = arith.constant 16 : index
        %get3A_335 = tpu.vector_load %arg9[%get3A_333, %get3A_334] {strides = array<i32>} : memref<512x32xf32, #tpu.memory_space<vmem>>, vector<1x16xf32>,
        %get3A_336 = vector.shape_cast %get3A_335 : vector<1x16xf32> to vector<16xf32>
        %slice3A_337 = vector.extract_strided_slice %select_n3A {offsets = [6], sizes = [1], strides = [1]} : vector<16xf32> to vector<1xf32>
        %squeeze3A_338 = vector.extract %slice3A_337[0] : f32 from vector<1xf32>
        %mul3A_339 = vector.broadcast %squeeze3A_338 : f32 to vector<16xf32>
        %mul3A_340 = arith.mulf %get3A_332, %mul3A_339 : vector<16xf32>
        %swap3A_341 = arith.index_cast %add3A_328 : i32 to index
        %swap3A_342 = arith.constant 0 : index
        %swap3A_343 = tpu.vector_load %arg9[%swap3A_341, %swap3A_342] {strides = array<i32>} : memref<512x32xf32, #tpu.memory_space<vmem>>, vector<1x16xf32>,
        %swap3A_344 = vector.shape_cast %swap3A_343 : vector<1x16xf32> to vector<16xf32>
        %swap3A_345 = vector.shape_cast %mul3A_340 : vector<16xf32> to vector<1x16xf32>
        tpu.vector_store %arg9[%swap3A_341, %swap3A_342], %swap3A_345 {strides = array<i32>} : memref<512x32xf32, #tpu.memory_space<vmem>>, vector<1x16xf32>,
        %slice3A_346 = vector.extract_strided_slice %select_n3A {offsets = [6], sizes = [1], strides = [1]} : vector<16xf32> to vector<1xf32>
        %squeeze3A_347 = vector.extract %slice3A_346[0] : f32 from vector<1xf32>
        %mul3A_348 = vector.broadcast %squeeze3A_347 : f32 to vector<16xf32>
        %mul3A_349 = arith.mulf %get3A_336, %mul3A_348 : vector<16xf32>
        %swap3A_350 = arith.index_cast %add3A_328 : i32 to index
        %swap3A_351 = arith.constant 16 : index
        %swap3A_352 = tpu.vector_load %arg9[%swap3A_350, %swap3A_351] {strides = array<i32>} : memref<512x32xf32, #tpu.memory_space<vmem>>, vector<1x16xf32>,
        %swap3A_353 = vector.shape_cast %swap3A_352 : vector<1x16xf32> to vector<16xf32>
        %swap3A_354 = vector.shape_cast %mul3A_349 : vector<16xf32> to vector<1x16xf32>
        tpu.vector_store %arg9[%swap3A_350, %swap3A_351], %swap3A_354 {strides = array<i32>} : memref<512x32xf32, #tpu.memory_space<vmem>>, vector<1x16xf32>,
        %add3A_355 = arith.constant 7 : i32
        %add3A_356 = arith.addi %add3A_155, %add3A_355 : i32
        %get3A_357 = arith.index_cast %add3A_356 : i32 to index
        %get3A_358 = arith.constant 0 : index
        %get3A_359 = tpu.vector_load %arg9[%get3A_357, %get3A_358] {strides = array<i32>} : memref<512x32xf32, #tpu.memory_space<vmem>>, vector<1x16xf32>,
        %get3A_360 = vector.shape_cast %get3A_359 : vector<1x16xf32> to vector<16xf32>
        %get3A_361 = arith.index_cast %add3A_356 : i32 to index
        %get3A_362 = arith.constant 16 : index
        %get3A_363 = tpu.vector_load %arg9[%get3A_361, %get3A_362] {strides = array<i32>} : memref<512x32xf32, #tpu.memory_space<vmem>>, vector<1x16xf32>,
        %get3A_364 = vector.shape_cast %get3A_363 : vector<1x16xf32> to vector<16xf32>
        %slice3A_365 = vector.extract_strided_slice %select_n3A {offsets = [7], sizes = [1], strides = [1]} : vector<16xf32> to vector<1xf32>
        %squeeze3A_366 = vector.extract %slice3A_365[0] : f32 from vector<1xf32>
        %mul3A_367 = vector.broadcast %squeeze3A_366 : f32 to vector<16xf32>
        %mul3A_368 = arith.mulf %get3A_360, %mul3A_367 : vector<16xf32>
        %swap3A_369 = arith.index_cast %add3A_356 : i32 to index
        %swap3A_370 = arith.constant 0 : index
        %swap3A_371 = tpu.vector_load %arg9[%swap3A_369, %swap3A_370] {strides = array<i32>} : memref<512x32xf32, #tpu.memory_space<vmem>>, vector<1x16xf32>,
        %swap3A_372 = vector.shape_cast %swap3A_371 : vector<1x16xf32> to vector<16xf32>
        %swap3A_373 = vector.shape_cast %mul3A_368 : vector<16xf32> to vector<1x16xf32>
        tpu.vector_store %arg9[%swap3A_369, %swap3A_370], %swap3A_373 {strides = array<i32>} : memref<512x32xf32, #tpu.memory_space<vmem>>, vector<1x16xf32>,
        %slice3A_374 = vector.extract_strided_slice %select_n3A {offsets = [7], sizes = [1], strides = [1]} : vector<16xf32> to vector<1xf32>
        %squeeze3A_375 = vector.extract %slice3A_374[0] : f32 from vector<1xf32>
        %mul3A_376 = vector.broadcast %squeeze3A_375 : f32 to vector<16xf32>
        %mul3A_377 = arith.mulf %get3A_364, %mul3A_376 : vector<16xf32>
        %swap3A_378 = arith.index_cast %add3A_356 : i32 to index
        %swap3A_379 = arith.constant 16 : index
        %swap3A_380 = tpu.vector_load %arg9[%swap3A_378, %swap3A_379] {strides = array<i32>} : memref<512x32xf32, #tpu.memory_space<vmem>>, vector<1x16xf32>,
        %swap3A_381 = vector.shape_cast %swap3A_380 : vector<1x16xf32> to vector<16xf32>
        %swap3A_382 = vector.shape_cast %mul3A_377 : vector<16xf32> to vector<1x16xf32>
        tpu.vector_store %arg9[%swap3A_378, %swap3A_379], %swap3A_382 {strides = array<i32>} : memref<512x32xf32, #tpu.memory_space<vmem>>, vector<1x16xf32>,
        %add3A_383 = arith.constant 8 : i32
        %add3A_384 = arith.addi %add3A_155, %add3A_383 : i32
        %get3A_385 = arith.index_cast %add3A_384 : i32 to index
        %get3A_386 = arith.constant 0 : index
        %get3A_387 = tpu.vector_load %arg9[%get3A_385, %get3A_386] {strides = array<i32>} : memref<512x32xf32, #tpu.memory_space<vmem>>, vector<1x16xf32>,
        %get3A_388 = vector.shape_cast %get3A_387 : vector<1x16xf32> to vector<16xf32>
        %get3A_389 = arith.index_cast %add3A_384 : i32 to index
        %get3A_390 = arith.constant 16 : index
        %get3A_391 = tpu.vector_load %arg9[%get3A_389, %get3A_390] {strides = array<i32>} : memref<512x32xf32, #tpu.memory_space<vmem>>, vector<1x16xf32>,
        %get3A_392 = vector.shape_cast %get3A_391 : vector<1x16xf32> to vector<16xf32>
        %slice3A_393 = vector.extract_strided_slice %select_n3A {offsets = [8], sizes = [1], strides = [1]} : vector<16xf32> to vector<1xf32>
        %squeeze3A_394 = vector.extract %slice3A_393[0] : f32 from vector<1xf32>
        %mul3A_395 = vector.broadcast %squeeze3A_394 : f32 to vector<16xf32>
        %mul3A_396 = arith.mulf %get3A_388, %mul3A_395 : vector<16xf32>
        %swap3A_397 = arith.index_cast %add3A_384 : i32 to index
        %swap3A_398 = arith.constant 0 : index
        %swap3A_399 = tpu.vector_load %arg9[%swap3A_397, %swap3A_398] {strides = array<i32>} : memref<512x32xf32, #tpu.memory_space<vmem>>, vector<1x16xf32>,
        %swap3A_400 = vector.shape_cast %swap3A_399 : vector<1x16xf32> to vector<16xf32>
        %swap3A_401 = vector.shape_cast %mul3A_396 : vector<16xf32> to vector<1x16xf32>
        tpu.vector_store %arg9[%swap3A_397, %swap3A_398], %swap3A_401 {strides = array<i32>} : memref<512x32xf32, #tpu.memory_space<vmem>>, vector<1x16xf32>,
        %slice3A_402 = vector.extract_strided_slice %select_n3A {offsets = [8], sizes = [1], strides = [1]} : vector<16xf32> to vector<1xf32>
        %squeeze3A_403 = vector.extract %slice3A_402[0] : f32 from vector<1xf32>
        %mul3A_404 = vector.broadcast %squeeze3A_403 : f32 to vector<16xf32>
        %mul3A_405 = arith.mulf %get3A_392, %mul3A_404 : vector<16xf32>
        %swap3A_406 = arith.index_cast %add3A_384 : i32 to index
        %swap3A_407 = arith.constant 16 : index
        %swap3A_408 = tpu.vector_load %arg9[%swap3A_406, %swap3A_407] {strides = array<i32>} : memref<512x32xf32, #tpu.memory_space<vmem>>, vector<1x16xf32>,
        %swap3A_409 = vector.shape_cast %swap3A_408 : vector<1x16xf32> to vector<16xf32>
        %swap3A_410 = vector.shape_cast %mul3A_405 : vector<16xf32> to vector<1x16xf32>
        tpu.vector_store %arg9[%swap3A_406, %swap3A_407], %swap3A_410 {strides = array<i32>} : memref<512x32xf32, #tpu.memory_space<vmem>>, vector<1x16xf32>,
        %add3A_411 = arith.constant 9 : i32
        %add3A_412 = arith.addi %add3A_155, %add3A_411 : i32
        %get3A_413 = arith.index_cast %add3A_412 : i32 to index
        %get3A_414 = arith.constant 0 : index
        %get3A_415 = tpu.vector_load %arg9[%get3A_413, %get3A_414] {strides = array<i32>} : memref<512x32xf32, #tpu.memory_space<vmem>>, vector<1x16xf32>,
        %get3A_416 = vector.shape_cast %get3A_415 : vector<1x16xf32> to vector<16xf32>
        %get3A_417 = arith.index_cast %add3A_412 : i32 to index
        %get3A_418 = arith.constant 16 : index
        %get3A_419 = tpu.vector_load %arg9[%get3A_417, %get3A_418] {strides = array<i32>} : memref<512x32xf32, #tpu.memory_space<vmem>>, vector<1x16xf32>,
        %get3A_420 = vector.shape_cast %get3A_419 : vector<1x16xf32> to vector<16xf32>
        %slice3A_421 = vector.extract_strided_slice %select_n3A {offsets = [9], sizes = [1], strides = [1]} : vector<16xf32> to vector<1xf32>
        %squeeze3A_422 = vector.extract %slice3A_421[0] : f32 from vector<1xf32>
        %mul3A_423 = vector.broadcast %squeeze3A_422 : f32 to vector<16xf32>
        %mul3A_424 = arith.mulf %get3A_416, %mul3A_423 : vector<16xf32>
        %swap3A_425 = arith.index_cast %add3A_412 : i32 to index
        %swap3A_426 = arith.constant 0 : index
        %swap3A_427 = tpu.vector_load %arg9[%swap3A_425, %swap3A_426] {strides = array<i32>} : memref<512x32xf32, #tpu.memory_space<vmem>>, vector<1x16xf32>,
        %swap3A_428 = vector.shape_cast %swap3A_427 : vector<1x16xf32> to vector<16xf32>
        %swap3A_429 = vector.shape_cast %mul3A_424 : vector<16xf32> to vector<1x16xf32>
        tpu.vector_store %arg9[%swap3A_425, %swap3A_426], %swap3A_429 {strides = array<i32>} : memref<512x32xf32, #tpu.memory_space<vmem>>, vector<1x16xf32>,
        %slice3A_430 = vector.extract_strided_slice %select_n3A {offsets = [9], sizes = [1], strides = [1]} : vector<16xf32> to vector<1xf32>
        %squeeze3A_431 = vector.extract %slice3A_430[0] : f32 from vector<1xf32>
        %mul3A_432 = vector.broadcast %squeeze3A_431 : f32 to vector<16xf32>
        %mul3A_433 = arith.mulf %get3A_420, %mul3A_432 : vector<16xf32>
        %swap3A_434 = arith.index_cast %add3A_412 : i32 to index
        %swap3A_435 = arith.constant 16 : index
        %swap3A_436 = tpu.vector_load %arg9[%swap3A_434, %swap3A_435] {strides = array<i32>} : memref<512x32xf32, #tpu.memory_space<vmem>>, vector<1x16xf32>,
        %swap3A_437 = vector.shape_cast %swap3A_436 : vector<1x16xf32> to vector<16xf32>
        %swap3A_438 = vector.shape_cast %mul3A_433 : vector<16xf32> to vector<1x16xf32>
        tpu.vector_store %arg9[%swap3A_434, %swap3A_435], %swap3A_438 {strides = array<i32>} : memref<512x32xf32, #tpu.memory_space<vmem>>, vector<1x16xf32>,
        %add3A_439 = arith.constant 10 : i32
        %add3A_440 = arith.addi %add3A_155, %add3A_439 : i32
        %get3A_441 = arith.index_cast %add3A_440 : i32 to index
        %get3A_442 = arith.constant 0 : index
        %get3A_443 = tpu.vector_load %arg9[%get3A_441, %get3A_442] {strides = array<i32>} : memref<512x32xf32, #tpu.memory_space<vmem>>, vector<1x16xf32>,
        %get3A_444 = vector.shape_cast %get3A_443 : vector<1x16xf32> to vector<16xf32>
        %get3A_445 = arith.index_cast %add3A_440 : i32 to index
        %get3A_446 = arith.constant 16 : index
        %get3A_447 = tpu.vector_load %arg9[%get3A_445, %get3A_446] {strides = array<i32>} : memref<512x32xf32, #tpu.memory_space<vmem>>, vector<1x16xf32>,
        %get3A_448 = vector.shape_cast %get3A_447 : vector<1x16xf32> to vector<16xf32>
        %slice3A_449 = vector.extract_strided_slice %select_n3A {offsets = [10], sizes = [1], strides = [1]} : vector<16xf32> to vector<1xf32>
        %squeeze3A_450 = vector.extract %slice3A_449[0] : f32 from vector<1xf32>
        %mul3A_451 = vector.broadcast %squeeze3A_450 : f32 to vector<16xf32>
        %mul3A_452 = arith.mulf %get3A_444, %mul3A_451 : vector<16xf32>
        %swap3A_453 = arith.index_cast %add3A_440 : i32 to index
        %swap3A_454 = arith.constant 0 : index
        %swap3A_455 = tpu.vector_load %arg9[%swap3A_453, %swap3A_454] {strides = array<i32>} : memref<512x32xf32, #tpu.memory_space<vmem>>, vector<1x16xf32>,
        %swap3A_456 = vector.shape_cast %swap3A_455 : vector<1x16xf32> to vector<16xf32>
        %swap3A_457 = vector.shape_cast %mul3A_452 : vector<16xf32> to vector<1x16xf32>
        tpu.vector_store %arg9[%swap3A_453, %swap3A_454], %swap3A_457 {strides = array<i32>} : memref<512x32xf32, #tpu.memory_space<vmem>>, vector<1x16xf32>,
        %slice3A_458 = vector.extract_strided_slice %select_n3A {offsets = [10], sizes = [1], strides = [1]} : vector<16xf32> to vector<1xf32>
        %squeeze3A_459 = vector.extract %slice3A_458[0] : f32 from vector<1xf32>
        %mul3A_460 = vector.broadcast %squeeze3A_459 : f32 to vector<16xf32>
        %mul3A_461 = arith.mulf %get3A_448, %mul3A_460 : vector<16xf32>
        %swap3A_462 = arith.index_cast %add3A_440 : i32 to index
        %swap3A_463 = arith.constant 16 : index
        %swap3A_464 = tpu.vector_load %arg9[%swap3A_462, %swap3A_463] {strides = array<i32>} : memref<512x32xf32, #tpu.memory_space<vmem>>, vector<1x16xf32>,
        %swap3A_465 = vector.shape_cast %swap3A_464 : vector<1x16xf32> to vector<16xf32>
        %swap3A_466 = vector.shape_cast %mul3A_461 : vector<16xf32> to vector<1x16xf32>
        tpu.vector_store %arg9[%swap3A_462, %swap3A_463], %swap3A_466 {strides = array<i32>} : memref<512x32xf32, #tpu.memory_space<vmem>>, vector<1x16xf32>,
        %add3A_467 = arith.constant 11 : i32
        %add3A_468 = arith.addi %add3A_155, %add3A_467 : i32
        %get3A_469 = arith.index_cast %add3A_468 : i32 to index
        %get3A_470 = arith.constant 0 : index
        %get3A_471 = tpu.vector_load %arg9[%get3A_469, %get3A_470] {strides = array<i32>} : memref<512x32xf32, #tpu.memory_space<vmem>>, vector<1x16xf32>,
        %get3A_472 = vector.shape_cast %get3A_471 : vector<1x16xf32> to vector<16xf32>
        %get3A_473 = arith.index_cast %add3A_468 : i32 to index
        %get3A_474 = arith.constant 16 : index
        %get3A_475 = tpu.vector_load %arg9[%get3A_473, %get3A_474] {strides = array<i32>} : memref<512x32xf32, #tpu.memory_space<vmem>>, vector<1x16xf32>,
        %get3A_476 = vector.shape_cast %get3A_475 : vector<1x16xf32> to vector<16xf32>
        %slice3A_477 = vector.extract_strided_slice %select_n3A {offsets = [11], sizes = [1], strides = [1]} : vector<16xf32> to vector<1xf32>
        %squeeze3A_478 = vector.extract %slice3A_477[0] : f32 from vector<1xf32>
        %mul3A_479 = vector.broadcast %squeeze3A_478 : f32 to vector<16xf32>
        %mul3A_480 = arith.mulf %get3A_472, %mul3A_479 : vector<16xf32>
        %swap3A_481 = arith.index_cast %add3A_468 : i32 to index
        %swap3A_482 = arith.constant 0 : index
        %swap3A_483 = tpu.vector_load %arg9[%swap3A_481, %swap3A_482] {strides = array<i32>} : memref<512x32xf32, #tpu.memory_space<vmem>>, vector<1x16xf32>,
        %swap3A_484 = vector.shape_cast %swap3A_483 : vector<1x16xf32> to vector<16xf32>
        %swap3A_485 = vector.shape_cast %mul3A_480 : vector<16xf32> to vector<1x16xf32>
        tpu.vector_store %arg9[%swap3A_481, %swap3A_482], %swap3A_485 {strides = array<i32>} : memref<512x32xf32, #tpu.memory_space<vmem>>, vector<1x16xf32>,
        %slice3A_486 = vector.extract_strided_slice %select_n3A {offsets = [11], sizes = [1], strides = [1]} : vector<16xf32> to vector<1xf32>
        %squeeze3A_487 = vector.extract %slice3A_486[0] : f32 from vector<1xf32>
        %mul3A_488 = vector.broadcast %squeeze3A_487 : f32 to vector<16xf32>
        %mul3A_489 = arith.mulf %get3A_476, %mul3A_488 : vector<16xf32>
        %swap3A_490 = arith.index_cast %add3A_468 : i32 to index
        %swap3A_491 = arith.constant 16 : index
        %swap3A_492 = tpu.vector_load %arg9[%swap3A_490, %swap3A_491] {strides = array<i32>} : memref<512x32xf32, #tpu.memory_space<vmem>>, vector<1x16xf32>,
        %swap3A_493 = vector.shape_cast %swap3A_492 : vector<1x16xf32> to vector<16xf32>
        %swap3A_494 = vector.shape_cast %mul3A_489 : vector<16xf32> to vector<1x16xf32>
        tpu.vector_store %arg9[%swap3A_490, %swap3A_491], %swap3A_494 {strides = array<i32>} : memref<512x32xf32, #tpu.memory_space<vmem>>, vector<1x16xf32>,
        %add3A_495 = arith.constant 12 : i32
        %add3A_496 = arith.addi %add3A_155, %add3A_495 : i32
        %get3A_497 = arith.index_cast %add3A_496 : i32 to index
        %get3A_498 = arith.constant 0 : index
        %get3A_499 = tpu.vector_load %arg9[%get3A_497, %get3A_498] {strides = array<i32>} : memref<512x32xf32, #tpu.memory_space<vmem>>, vector<1x16xf32>,
        %get3A_500 = vector.shape_cast %get3A_499 : vector<1x16xf32> to vector<16xf32>
        %get3A_501 = arith.index_cast %add3A_496 : i32 to index
        %get3A_502 = arith.constant 16 : index
        %get3A_503 = tpu.vector_load %arg9[%get3A_501, %get3A_502] {strides = array<i32>} : memref<512x32xf32, #tpu.memory_space<vmem>>, vector<1x16xf32>,
        %get3A_504 = vector.shape_cast %get3A_503 : vector<1x16xf32> to vector<16xf32>
        %slice3A_505 = vector.extract_strided_slice %select_n3A {offsets = [12], sizes = [1], strides = [1]} : vector<16xf32> to vector<1xf32>
        %squeeze3A_506 = vector.extract %slice3A_505[0] : f32 from vector<1xf32>
        %mul3A_507 = vector.broadcast %squeeze3A_506 : f32 to vector<16xf32>
        %mul3A_508 = arith.mulf %get3A_500, %mul3A_507 : vector<16xf32>
        %swap3A_509 = arith.index_cast %add3A_496 : i32 to index
        %swap3A_510 = arith.constant 0 : index
        %swap3A_511 = tpu.vector_load %arg9[%swap3A_509, %swap3A_510] {strides = array<i32>} : memref<512x32xf32, #tpu.memory_space<vmem>>, vector<1x16xf32>,
        %swap3A_512 = vector.shape_cast %swap3A_511 : vector<1x16xf32> to vector<16xf32>
        %swap3A_513 = vector.shape_cast %mul3A_508 : vector<16xf32> to vector<1x16xf32>
        tpu.vector_store %arg9[%swap3A_509, %swap3A_510], %swap3A_513 {strides = array<i32>} : memref<512x32xf32, #tpu.memory_space<vmem>>, vector<1x16xf32>,
        %slice3A_514 = vector.extract_strided_slice %select_n3A {offsets = [12], sizes = [1], strides = [1]} : vector<16xf32> to vector<1xf32>
        %squeeze3A_515 = vector.extract %slice3A_514[0] : f32 from vector<1xf32>
        %mul3A_516 = vector.broadcast %squeeze3A_515 : f32 to vector<16xf32>
        %mul3A_517 = arith.mulf %get3A_504, %mul3A_516 : vector<16xf32>
        %swap3A_518 = arith.index_cast %add3A_496 : i32 to index
        %swap3A_519 = arith.constant 16 : index
        %swap3A_520 = tpu.vector_load %arg9[%swap3A_518, %swap3A_519] {strides = array<i32>} : memref<512x32xf32, #tpu.memory_space<vmem>>, vector<1x16xf32>,
        %swap3A_521 = vector.shape_cast %swap3A_520 : vector<1x16xf32> to vector<16xf32>
        %swap3A_522 = vector.shape_cast %mul3A_517 : vector<16xf32> to vector<1x16xf32>
        tpu.vector_store %arg9[%swap3A_518, %swap3A_519], %swap3A_522 {strides = array<i32>} : memref<512x32xf32, #tpu.memory_space<vmem>>, vector<1x16xf32>,
        %add3A_523 = arith.constant 13 : i32
        %add3A_524 = arith.addi %add3A_155, %add3A_523 : i32
        %get3A_525 = arith.index_cast %add3A_524 : i32 to index
        %get3A_526 = arith.constant 0 : index
        %get3A_527 = tpu.vector_load %arg9[%get3A_525, %get3A_526] {strides = array<i32>} : memref<512x32xf32, #tpu.memory_space<vmem>>, vector<1x16xf32>,
        %get3A_528 = vector.shape_cast %get3A_527 : vector<1x16xf32> to vector<16xf32>
        %get3A_529 = arith.index_cast %add3A_524 : i32 to index
        %get3A_530 = arith.constant 16 : index
        %get3A_531 = tpu.vector_load %arg9[%get3A_529, %get3A_530] {strides = array<i32>} : memref<512x32xf32, #tpu.memory_space<vmem>>, vector<1x16xf32>,
        %get3A_532 = vector.shape_cast %get3A_531 : vector<1x16xf32> to vector<16xf32>
        %slice3A_533 = vector.extract_strided_slice %select_n3A {offsets = [13], sizes = [1], strides = [1]} : vector<16xf32> to vector<1xf32>
        %squeeze3A_534 = vector.extract %slice3A_533[0] : f32 from vector<1xf32>
        %mul3A_535 = vector.broadcast %squeeze3A_534 : f32 to vector<16xf32>
        %mul3A_536 = arith.mulf %get3A_528, %mul3A_535 : vector<16xf32>
        %swap3A_537 = arith.index_cast %add3A_524 : i32 to index
        %swap3A_538 = arith.constant 0 : index
        %swap3A_539 = tpu.vector_load %arg9[%swap3A_537, %swap3A_538] {strides = array<i32>} : memref<512x32xf32, #tpu.memory_space<vmem>>, vector<1x16xf32>,
        %swap3A_540 = vector.shape_cast %swap3A_539 : vector<1x16xf32> to vector<16xf32>
        %swap3A_541 = vector.shape_cast %mul3A_536 : vector<16xf32> to vector<1x16xf32>
        tpu.vector_store %arg9[%swap3A_537, %swap3A_538], %swap3A_541 {strides = array<i32>} : memref<512x32xf32, #tpu.memory_space<vmem>>, vector<1x16xf32>,
        %slice3A_542 = vector.extract_strided_slice %select_n3A {offsets = [13], sizes = [1], strides = [1]} : vector<16xf32> to vector<1xf32>
        %squeeze3A_543 = vector.extract %slice3A_542[0] : f32 from vector<1xf32>
        %mul3A_544 = vector.broadcast %squeeze3A_543 : f32 to vector<16xf32>
        %mul3A_545 = arith.mulf %get3A_532, %mul3A_544 : vector<16xf32>
        %swap3A_546 = arith.index_cast %add3A_524 : i32 to index
        %swap3A_547 = arith.constant 16 : index
        %swap3A_548 = tpu.vector_load %arg9[%swap3A_546, %swap3A_547] {strides = array<i32>} : memref<512x32xf32, #tpu.memory_space<vmem>>, vector<1x16xf32>,
        %swap3A_549 = vector.shape_cast %swap3A_548 : vector<1x16xf32> to vector<16xf32>
        %swap3A_550 = vector.shape_cast %mul3A_545 : vector<16xf32> to vector<1x16xf32>
        tpu.vector_store %arg9[%swap3A_546, %swap3A_547], %swap3A_550 {strides = array<i32>} : memref<512x32xf32, #tpu.memory_space<vmem>>, vector<1x16xf32>,
        %add3A_551 = arith.constant 14 : i32
        %add3A_552 = arith.addi %add3A_155, %add3A_551 : i32
        %get3A_553 = arith.index_cast %add3A_552 : i32 to index
        %get3A_554 = arith.constant 0 : index
        %get3A_555 = tpu.vector_load %arg9[%get3A_553, %get3A_554] {strides = array<i32>} : memref<512x32xf32, #tpu.memory_space<vmem>>, vector<1x16xf32>,
        %get3A_556 = vector.shape_cast %get3A_555 : vector<1x16xf32> to vector<16xf32>
        %get3A_557 = arith.index_cast %add3A_552 : i32 to index
        %get3A_558 = arith.constant 16 : index
        %get3A_559 = tpu.vector_load %arg9[%get3A_557, %get3A_558] {strides = array<i32>} : memref<512x32xf32, #tpu.memory_space<vmem>>, vector<1x16xf32>,
        %get3A_560 = vector.shape_cast %get3A_559 : vector<1x16xf32> to vector<16xf32>
        %slice3A_561 = vector.extract_strided_slice %select_n3A {offsets = [14], sizes = [1], strides = [1]} : vector<16xf32> to vector<1xf32>
        %squeeze3A_562 = vector.extract %slice3A_561[0] : f32 from vector<1xf32>
        %mul3A_563 = vector.broadcast %squeeze3A_562 : f32 to vector<16xf32>
        %mul3A_564 = arith.mulf %get3A_556, %mul3A_563 : vector<16xf32>
        %swap3A_565 = arith.index_cast %add3A_552 : i32 to index
        %swap3A_566 = arith.constant 0 : index
        %swap3A_567 = tpu.vector_load %arg9[%swap3A_565, %swap3A_566] {strides = array<i32>} : memref<512x32xf32, #tpu.memory_space<vmem>>, vector<1x16xf32>,
        %swap3A_568 = vector.shape_cast %swap3A_567 : vector<1x16xf32> to vector<16xf32>
        %swap3A_569 = vector.shape_cast %mul3A_564 : vector<16xf32> to vector<1x16xf32>
        tpu.vector_store %arg9[%swap3A_565, %swap3A_566], %swap3A_569 {strides = array<i32>} : memref<512x32xf32, #tpu.memory_space<vmem>>, vector<1x16xf32>,
        %slice3A_570 = vector.extract_strided_slice %select_n3A {offsets = [14], sizes = [1], strides = [1]} : vector<16xf32> to vector<1xf32>
        %squeeze3A_571 = vector.extract %slice3A_570[0] : f32 from vector<1xf32>
        %mul3A_572 = vector.broadcast %squeeze3A_571 : f32 to vector<16xf32>
        %mul3A_573 = arith.mulf %get3A_560, %mul3A_572 : vector<16xf32>
        %swap3A_574 = arith.index_cast %add3A_552 : i32 to index
        %swap3A_575 = arith.constant 16 : index
        %swap3A_576 = tpu.vector_load %arg9[%swap3A_574, %swap3A_575] {strides = array<i32>} : memref<512x32xf32, #tpu.memory_space<vmem>>, vector<1x16xf32>,
        %swap3A_577 = vector.shape_cast %swap3A_576 : vector<1x16xf32> to vector<16xf32>
        %swap3A_578 = vector.shape_cast %mul3A_573 : vector<16xf32> to vector<1x16xf32>
        tpu.vector_store %arg9[%swap3A_574, %swap3A_575], %swap3A_578 {strides = array<i32>} : memref<512x32xf32, #tpu.memory_space<vmem>>, vector<1x16xf32>,
        %add3A_579 = arith.constant 15 : i32
        %add3A_580 = arith.addi %add3A_155, %add3A_579 : i32
        %get3A_581 = arith.index_cast %add3A_580 : i32 to index
        %get3A_582 = arith.constant 0 : index
        %get3A_583 = tpu.vector_load %arg9[%get3A_581, %get3A_582] {strides = array<i32>} : memref<512x32xf32, #tpu.memory_space<vmem>>, vector<1x16xf32>,
        %get3A_584 = vector.shape_cast %get3A_583 : vector<1x16xf32> to vector<16xf32>
        %get3A_585 = arith.index_cast %add3A_580 : i32 to index
        %get3A_586 = arith.constant 16 : index
        %get3A_587 = tpu.vector_load %arg9[%get3A_585, %get3A_586] {strides = array<i32>} : memref<512x32xf32, #tpu.memory_space<vmem>>, vector<1x16xf32>,
        %get3A_588 = vector.shape_cast %get3A_587 : vector<1x16xf32> to vector<16xf32>
        %slice3A_589 = vector.extract_strided_slice %select_n3A {offsets = [15], sizes = [1], strides = [1]} : vector<16xf32> to vector<1xf32>
        %squeeze3A_590 = vector.extract %slice3A_589[0] : f32 from vector<1xf32>
        %mul3A_591 = vector.broadcast %squeeze3A_590 : f32 to vector<16xf32>
        %mul3A_592 = arith.mulf %get3A_584, %mul3A_591 : vector<16xf32>
        %swap3A_593 = arith.index_cast %add3A_580 : i32 to index
        %swap3A_594 = arith.constant 0 : index
        %swap3A_595 = tpu.vector_load %arg9[%swap3A_593, %swap3A_594] {strides = array<i32>} : memref<512x32xf32, #tpu.memory_space<vmem>>, vector<1x16xf32>,
        %swap3A_596 = vector.shape_cast %swap3A_595 : vector<1x16xf32> to vector<16xf32>
        %swap3A_597 = vector.shape_cast %mul3A_592 : vector<16xf32> to vector<1x16xf32>
        tpu.vector_store %arg9[%swap3A_593, %swap3A_594], %swap3A_597 {strides = array<i32>} : memref<512x32xf32, #tpu.memory_space<vmem>>, vector<1x16xf32>,
        %slice3A_598 = vector.extract_strided_slice %select_n3A {offsets = [15], sizes = [1], strides = [1]} : vector<16xf32> to vector<1xf32>
        %squeeze3A_599 = vector.extract %slice3A_598[0] : f32 from vector<1xf32>
        %mul3A_600 = vector.broadcast %squeeze3A_599 : f32 to vector<16xf32>
        %mul3A_601 = arith.mulf %get3A_588, %mul3A_600 : vector<16xf32>
        %swap3A_602 = arith.index_cast %add3A_580 : i32 to index
        %swap3A_603 = arith.constant 16 : index
        %swap3A_604 = tpu.vector_load %arg9[%swap3A_602, %swap3A_603] {strides = array<i32>} : memref<512x32xf32, #tpu.memory_space<vmem>>, vector<1x16xf32>,
        %swap3A_605 = vector.shape_cast %swap3A_604 : vector<1x16xf32> to vector<16xf32>
        %swap3A_606 = vector.shape_cast %mul3A_601 : vector<16xf32> to vector<1x16xf32>
        tpu.vector_store %arg9[%swap3A_602, %swap3A_603], %swap3A_606 {strides = array<i32>} : memref<512x32xf32, #tpu.memory_space<vmem>>, vector<1x16xf32>,
      }
      %scan3A_150 = arith.constant 32 : i32
      "tpu.region"() ({
        %run_scoped3A = tpu.sem_alloc : memref<!tpu.dma_semaphore, #tpu.memory_space<semaphore_mem>>
        %dma_start3A_151 = arith.constant 0 : i32
        %dma_start3A_152 = tpu.memref_slice %arg5[%add3A_14, %dma_start3A_151] : memref<819200x64xf32, #tpu.memory_space<hbm>> -> memref<512x32xf32, #tpu.memory_space<hbm>>
        %dma_start3A_153 = arith.constant 0 : i32
        %dma_start3A_154 = tpu.memref_slice %arg5[%add3A_14, %dma_start3A_153] : memref<819200x64xf32, #tpu.memory_space<hbm>> -> memref<512x32xf32, #tpu.memory_space<hbm>>
        tpu.enqueue_dma source(%arg8 : memref<512x32xf32, #tpu.memory_space<vmem>>) target(%dma_start3A_154 : memref<512x32xf32, #tpu.memory_space<hbm>>) target_semaphore(%run_scoped3A : memref<!tpu.dma_semaphore, #tpu.memory_space<semaphore_mem>>)
        %dma_wait3A_155 = arith.constant 0 : i32
        %dma_wait3A_156 = tpu.memref_slice %arg5[%add3A_14, %dma_wait3A_155] : memref<819200x64xf32, #tpu.memory_space<hbm>> -> memref<512x32xf32, #tpu.memory_space<hbm>>
        %dma_wait3A_157 = arith.constant 0 : i32
        %dma_wait3A_158 = tpu.memref_slice %arg5[%add3A_14, %dma_wait3A_157] : memref<819200x64xf32, #tpu.memory_space<hbm>> -> memref<512x32xf32, #tpu.memory_space<hbm>>
        tpu.wait_dma2 semaphore(%run_scoped3A : memref<!tpu.dma_semaphore, #tpu.memory_space<semaphore_mem>>) src(%arg8 : memref<512x32xf32, #tpu.memory_space<vmem>>) dst(%dma_wait3A_158 : memref<512x32xf32, #tpu.memory_space<hbm>>)
        tpu.yield
      }) : () -> ()
      "tpu.region"() ({
        %run_scoped3A = tpu.sem_alloc : memref<!tpu.dma_semaphore, #tpu.memory_space<semaphore_mem>>
        %dma_start3A_151 = arith.constant 32 : i32
        %dma_start3A_152 = tpu.memref_slice %arg5[%add3A_14, %dma_start3A_151] : memref<819200x64xf32, #tpu.memory_space<hbm>> -> memref<512x32xf32, #tpu.memory_space<hbm>>
        %dma_start3A_153 = arith.constant 32 : i32
        %dma_start3A_154 = tpu.memref_slice %arg5[%add3A_14, %dma_start3A_153] : memref<819200x64xf32, #tpu.memory_space<hbm>> -> memref<512x32xf32, #tpu.memory_space<hbm>>
        tpu.enqueue_dma source(%arg9 : memref<512x32xf32, #tpu.memory_space<vmem>>) target(%dma_start3A_154 : memref<512x32xf32, #tpu.memory_space<hbm>>) target_semaphore(%run_scoped3A : memref<!tpu.dma_semaphore, #tpu.memory_space<semaphore_mem>>)
        %dma_wait3A_155 = arith.constant 32 : i32
        %dma_wait3A_156 = tpu.memref_slice %arg5[%add3A_14, %dma_wait3A_155] : memref<819200x64xf32, #tpu.memory_space<hbm>> -> memref<512x32xf32, #tpu.memory_space<hbm>>
        %dma_wait3A_157 = arith.constant 32 : i32
        %dma_wait3A_158 = tpu.memref_slice %arg5[%add3A_14, %dma_wait3A_157] : memref<819200x64xf32, #tpu.memory_space<hbm>> -> memref<512x32xf32, #tpu.memory_space<hbm>>
        tpu.wait_dma2 semaphore(%run_scoped3A : memref<!tpu.dma_semaphore, #tpu.memory_space<semaphore_mem>>) src(%arg9 : memref<512x32xf32, #tpu.memory_space<vmem>>) dst(%dma_wait3A_158 : memref<512x32xf32, #tpu.memory_space<hbm>>)
        tpu.yield
      }) : () -> ()
    }
    %scan3A_6 = arith.constant 50 : i32
    return
  }
}

</mosaic_0001>

<sc_bundles>
// kernel: kernel.3.cloned.1.call-start
scs
__scs_entry_jumppad:
0x0: {  	(pc) =	sbr.rel $0x88, $3  }
0x1: {  	(tag) =	ssettag $0x0;
	lr =	simm.s32 $0x1  }
0x2: {  	[smem:$0x3F9E] =	sst lr;
	_ =	strace $0xD0000000  }
0x3: {  	_ = 	snop  }
0x4: {  	_ = 	snop  }
0x5: {  	_ = 	snop  }
0x6: {  	_ = 	snop  }
0x7: {  	_ = 	snop  }
__scs_overlays_trampoline_lowered:
0x8: {  	[smem:$0x3FAD] =	sst s0  }
0x9: {  	[smem:$0x3FAE] =	sst s1  }
0xa: {  	[smem:$0x3FAF] =	sst s2  }
0xb: {  	[smem:$0x3FB0] =	sst s3  }
0xc: {  	[smem:$0x3FB1] =	sst s4  }
0xd: {  	[smem:$0x3FB2] =	sst s5  }
0xe: {  	[smem:$0x3FB3] =	sst s6  }
0xf: {  	[smem:$0x3FB4] =	sst s7  }
0x10: {  	[smem:$0x3FB5] =	sst s8  }
0x11: {  	[smem:$0x3FB6] =	sst s9;
	s0 =	simm.s32 @!p0 $0x0  }
0x12: {  	s1 =	sld [smem:$0x3F9C];
	s0 =	simm.s32 @p0 $0x1  }
0x13: {  	[smem:$0x3FB7] =	sst s0;
	s0 =	simm.s32 @!p1 $0x0  }
0x14: {  	s2 =	sld [smem:$0x3F9B];
	s0 =	simm.s32 @p1 $0x1  }
0x15: {  	[smem:$0x3FB8] =	sst s0;
	s0 =	simm.s32 @!p2 $0x0  }
0x16: {  	s3 =	sld [smem:$0x3FDB];
	s0 =	simm.s32 @p2 $0x1  }
0x17: {  	s4 =	simm.s32 $0x1BF5;
	[smem:$0x3FBA] =	sst s0  }
0x18: {  	s0 =	sld [smem:$0x3F9D];
	_ =	swait.ge [sflag:s4], $0x0  }
0x19: {  	s7 =	sld [smem:$0x3F9E]  }
0x1a: {  	s8 =	sadd.s32 $0xFFFFE003, lr  }
0x1b: {  	s9 =	sadd.s32 $0xFFFFFEF7, lr;
	s5 =	simm.s32 $0xFFFFFFFF;
	p2 =	slt.u32 s8, $0xFFFFF086  }
0x1c: {  	p1 =	slt.u32 s9, $0xF7A;
	s5 =	simm.s32 @!p2 $0x0  }
0x1d: {  	s5 =	simm.s32 @p1 $0x1;
	p0 =	seq.s32 s7, s2  }
0x1e: {  	s7 =	smul.u32 @!p0 $0xF7A, s2;
	p2 =	seq.s32 @!p0 s5, $0x0  }
0x1f: {  	s9 =	smul.u32 $0xF7A, s1;
	s8 =	simm.s32 @!p0 $0x1BF5;
	p2 =	por !p2, p0  }
0x20: {  	[sflag:s8] =	ssyncset.s32 @!p0 $0xFFFFF086;
	s6 =	sadd.s32 @!p0 s3, s7;
	s7 =	simm.s32 @!p0 $0x108  }
0x21: {  	s3 =	sadd.s32 s3, s9;
	s6 =	sadd.s32 @!p0 $0x88, s6;
	s7 =	simm.s32 @p2 $0x1082  }
0x22: {  	[simem:s7], [sflag:s8] =	dma.local @!p0 [hbm:s6], $0xF7A  }
0x23: {  	s9 =	sor.u32 $0xD0000000, s2;
	s6 =	simm.s32 $0x108;
	_ =	swait.ge @!p0 [sflag:s8], $0x0  }
0x24: {  	s3 =	sadd.s32 $0x88, s3;
	s6 =	simm.s32 @!p1 $0x1082;
	[sflag:s4] =	ssyncset.s32 $0xFFFFF086  }
0x25: {  	[simem:s6], [sflag:s4] =	dma.local [hbm:s3], $0xF7A  }
0x26: {  	[smem:$0x3F9E] =	sst s1;
	(tag) =	ssettag s2;
	_ =	strace s9  }
0x27: {  	s1 =	sld [smem:$0x3FAE]  }
0x28: {  	s2 =	sld [smem:$0x3FAF]  }
0x29: {  	s4 =	sld [smem:$0x3FB1]  }
0x2a: {  	p0 =	seq.s32 s5, $0x0;
	s5 =	sld [smem:$0x3FB2]  }
0x2b: {  	s6 =	sld [smem:$0x3FB3]  }
0x2c: {  	s7 =	sld [smem:$0x3FB4]  }
0x2d: {  	s3 =	simm.s32 $0x108;
	s8 =	sld [smem:$0x3FB5]  }
0x2e: {  	s3 =	simm.s32 @!p0 $0x1082;
	s9 =	sld [smem:$0x3FB6]  }
0x2f: {  	lr =	sadd.s32 s0, s3;
	s0 =	sld [smem:$0x3FAD]  }
0x30: {  	s3 =	sld [smem:$0x3FB0]  }
0x31: {  	[smem:$0x3FB9] =	sst s10  }
0x32: {  	s10 =	sld [smem:$0x3FB7];
	_ =	sdelay $0x3  }
0x33: {  	p0 =	seq.s32 s10, $0x1;
	s10 =	sld [smem:$0x3FB9];
	_ =	sdelay $0x3  }
0x34: {  	[smem:$0x3FB9] =	sst s10  }
0x35: {  	s10 =	sld [smem:$0x3FB8];
	_ =	sdelay $0x3  }
0x36: {  	p1 =	seq.s32 s10, $0x1;
	s10 =	sld [smem:$0x3FB9];
	_ =	sdelay $0x3  }
0x37: {  	[smem:$0x3FB9] =	sst s10  }
0x38: {  	s10 =	sld [smem:$0x3FBA]  }
0x39: {  	_ = 	snop;
	(pc) =	sbr.ind lr, $3  }
0x3a: {  	_ = 	snop  }
0x3b: {  	_ = 	snop  }
0x3c: {  	p2 =	seq.s32 s10, $0x1;
	s10 =	sld [smem:$0x3FB9]  }
0x3d: {  	_ =	shalt  }
0x3e: {  	_ =	shalt  }
0x3f: {  	_ =	shalt  }
0x40: {  	_ =	shalt  }
0x41: {  	_ =	shalt  }
0x42: {  	_ =	shalt  }
0x43: {  	_ =	shalt  }
0x44: {  	_ =	shalt  }
0x45: {  	_ =	shalt  }
0x46: {  	_ =	shalt  }
0x47: {  	_ =	shalt  }
0x48: {  	_ =	shalt  }
0x49: {  	_ =	shalt  }
0x4a: {  	_ =	shalt  }
0x4b: {  	_ =	shalt  }
0x4c: {  	_ =	shalt  }
0x4d: {  	_ =	shalt  }
0x4e: {  	_ =	shalt  }
0x4f: {  	_ =	shalt  }
0x50: {  	_ =	shalt  }
0x51: {  	_ =	shalt  }
0x52: {  	_ =	shalt  }
0x53: {  	_ =	shalt  }
0x54: {  	_ =	shalt  }
0x55: {  	_ =	shalt  }
0x56: {  	_ =	shalt  }
0x57: {  	_ =	shalt  }
0x58: {  	_ =	shalt  }
0x59: {  	_ =	shalt  }
0x5a: {  	_ =	shalt  }
0x5b: {  	_ =	shalt  }
0x5c: {  	_ =	shalt  }
0x5d: {  	_ =	shalt  }
0x5e: {  	_ =	shalt  }
0x5f: {  	_ =	shalt  }
0x60: {  	_ =	shalt  }
0x61: {  	_ =	shalt  }
0x62: {  	_ =	shalt  }
0x63: {  	_ =	shalt  }
0x64: {  	_ =	shalt  }
0x65: {  	_ =	shalt  }
0x66: {  	_ =	shalt  }
0x67: {  	_ =	shalt  }
0x68: {  	_ =	shalt  }
0x69: {  	_ =	shalt  }
0x6a: {  	_ =	shalt  }
0x6b: {  	_ =	shalt  }
0x6c: {  	_ =	shalt  }
0x6d: {  	_ =	shalt  }
0x6e: {  	_ =	shalt  }
0x6f: {  	_ =	shalt  }
0x70: {  	_ =	shalt  }
0x71: {  	_ =	shalt  }
0x72: {  	_ =	shalt  }
0x73: {  	_ =	shalt  }
0x74: {  	_ =	shalt  }
0x75: {  	_ =	shalt  }
0x76: {  	_ =	shalt  }
0x77: {  	_ =	shalt  }
0x78: {  	_ =	shalt  }
0x79: {  	_ =	shalt  }
0x7a: {  	_ =	shalt  }
0x7b: {  	_ =	shalt  }
0x7c: {  	_ =	shalt  }
0x7d: {  	_ =	shalt  }
0x7e: {  	_ =	shalt  }
0x7f: {  	_ =	shalt  }
0x80: {  	_ =	shalt  }
0x81: {  	_ =	shalt  }
0x82: {  	_ =	shalt  }
0x83: {  	_ =	shalt  }
0x84: {  	_ =	shalt  }
0x85: {  	_ =	shalt  }
0x86: {  	_ =	shalt  }
0x87: {  	_ =	shalt  }
.Lfunc_end0:
.L_simem_size_0:
called_computation.1_lowered:
.L_overlay_start_0:
0x88: {  	s2 =	sld [smem:$0x3FD9]  }
0x89: {  	s3 =	sld [smem:$0x3FFE];
	_ =	sdelay $0x1  }
0x8a: {  	s1 =	srdreg.scid  }
0x8b: {  	s0 =	sand.u32 $0x1, s1  }
0x8c: {  	s17 =	sshll.u32 s0, $0xA;
	s2 =	sadd.s32 s3, s2  }
0x8d: {  	s2 =	sadd.s32 s2, s17  }
0x8e: {  	[smem:$0x3FC5] =	sst s2  }
0x8f: {  	_ = 	snop  }
0x90: {  	s2 =	sld [smem:$0x3FD0];
	(tm) =	ssettm $0x1  }
0x91: {  	s18 =	sld [smem:$0x3FFB];
	_ =	sdelay $0x3  }
0x92: {  	_ =	strace s18  }
0x93: {  	s3 =	sld [smem:$0x3FFC];
	_ =	sdelay $0x3  }
0x94: {  	_ =	strace s3  }
0x95: {  	s3 =	sld [smem:$0x3FFD];
	_ =	sdelay $0x3  }
0x96: {  	_ =	strace s3  }
0x97: {  	_ =	strace $0x8FFFFFFF  }
0x98: {  	s19 =	sld [smem:$0x3FDB];
	_ =	sdelay $0x1  }
0x99: {  	s4 =	simm.s32 $_scs_section_size  }
0x9a: {  	s5 =	simm.s32 $_size__tile_overlayer_lowered;
	s6 =	simm.s32 $_tile_overlayer_lowered  }
0x9b: {  	s22 =	simm.s32 $0x1BFF;
	s21 =	sshll.u32 s6, $0x1;
	s3 =	sadd.s32 s4, s19  }
0x9c: {  	s7 =	simm.s32 $0x0;
	s20 =	sshll.u32 s5, $0x1;
	s5 =	sadd.s32 s21, s3  }
0x9d: {  	[timem:s7], [sflag:s22] =	dma.local [hbm:s5], s20  }
0x9e: {  	_ =	swait.ge [sflag:s22], s20  }
0x9f: {  	s4 =	ssub.s32 $0x0, s20;
	[sflag:s22] =	ssyncset.done $0x0  }
0xa0: {  	[sflag:s22] =	ssyncadd.s32 s4;
	_ =	sdelay $0x1  }
0xa1: {  	s23 =	simm.s32 $0x1B8B  }
0xa2: {  	_ =	swait.ge [sflag:s23], $0x1  }
0xa3: {  	[sflag:s23] =	ssyncset.done $0x0  }
0xa4: {  	s25 =	simm.s32 $0x1B8E;
	s24 =	sld [smem:$0x3FFE];
	[sflag:s23] =	ssyncadd.s32 $0xFFFFFFFF  }
0xa5: {  	s26 =	simm.s32 $execute0_lowered;
	[smem:$0x3FD2] =	sst s25  }
0xa6: {  	s5 =	sshll.u32 s26, $0x1;
	_ =	strace $0x80000046;
	[dreg:$0x1] =	wrdreg $0xFFFFFFFF  }
0xa7: {  	s28 =	simm.s32 $_size_execute0_lowered;
	s3 =	sadd.s32 s3, s5;
	[dreg:$0x0] =	wrdreg $0x0  }
0xa8: {  	s5 =	sshll.u32 s28, $0x1;
	[dreg:$0x2] =	wrdreg s3  }
0xa9: {  	[dreg:$0x3] =	wrdreg s5  }
0xaa: {  	[dreg:$0x4] =	wrdreg $0xC0  }
0xab: {  	_ =	task [dreg:s7], $0x5FFFF  }
0xac: {  	[dreg:$0x1] =	wrdreg $0xFFFFFFFF  }
0xad: {  	[dreg:$0x0] =	wrdreg $0x60  }
0xae: {  	[dreg:$0x2] =	wrdreg s24  }
0xaf: {  	[dreg:$0x3] =	wrdreg s2  }
0xb0: {  	[dreg:$0x4] =	wrdreg $0x9  }
0xb1: {  	_ =	task.clear_ibuf [dreg:s7], $0x5FFFF;
	_ =	strace $0x90000046  }
0xb2: {  	s29 =	simm.s32 $0x9;
	_ =	strace $0x80000048  }
0xb3: {  	_ =	swait.ge [sflag:s29], $0x1  }
0xb4: {  	[sflag:s29] =	ssyncadd.s32 $0xFFFFFFFF  }
0xb5: {  	_ =	strace $0x90000048  }
0xb6: {  	_ =	sfence  }
0xb7: {  	s30 =	sld [smem:$0x0];
	_ =	sdelay $0x2  }
0xb8: {  	s31 =	sshll.u32 s1, $0xD;
	s1 =	sshrl.u32 s1, $0x2  }
0xb9: {  	s3 =	sand.u32 $0x4000, s31;
	s1 =	sadd.s32 s1, s30  }
0xba: {  	s0 =	sor.u32 s3, s0;
	s1 =	sshll.u32 s1, $0x11  }
0xbb: {  	s0 =	sor.u32 s1, s0  }
0xbc: {  	s0 =	sadd.s32 $0x8F2B, s0  }
0xbd: {  	[sflag:s0] =	ssyncadd.remote.s32 $0x1  }
0xbe: {  	_ =	sfence.sel $0xFFFF  }
0xbf: {  	[dreg:$0x0] =	wrdreg $0xFFFFFFFF;
	(pc) =	sbr.abs _section_cstart, $3  }
0xc0: {  	[dreg:$0x1] =	wrdreg $0xFFFFFFFF  }
0xc1: {  	_ =	task.clear_ibuf [dreg:s7], $0x2FFFF;
	_ =	strace $0x9FFFFFFF  }
0xc2: {  	(tm) =	ssettm $0x7FFFFFFF  }
0xc3: {  	_ =	shalt  }
tec
execute0_lowered:
.L_overlay_start_1:
0x0: {  	(tag) =	ssettag $0x1  }
0x1: {  	s0 =	rddreg [dreg:$0x0]  }
0x2: {  	s8 =	rddreg [dreg:$0x1];
	s9 =	simm.s32 $0x0;
	s1 =	srdreg.scid  }
0x3: {  	s3 =	stileid.u32;
	s10 =	simm.s32 $0x3;
	s11 =	simm.s32 $0x80  }
0x4: {  	s12 =	simm.s32 $0x400;
	s13 =	simm.s32 $0x200;
	s14 =	simm.s32 $0x4400  }
0x5: {  	s15 =	simm.s32 $0x1400;
	s16 =	simm.s32 $0x280;
	s17 =	simm.s32 $0x5400  }
0x6: {  	s18 =	simm.s32 $0x100;
	s19 =	simm.s32 $0x2400;
	s20 =	simm.s32 $0x300  }
0x7: {  	s21 =	simm.s32 $0x6400;
	s22 =	simm.s32 $0x180;
	s23 =	simm.s32 $0x3400  }
0x8: {  	s24 =	simm.s32 $0x380;
	s25 =	simm.s32 $0x7400;
	s26 =	simm.s32 $0x1  }
0x9: {  	s28 =	simm.s32 $0x2;
	s29 =	simm.s32 $0x20;
	s1 =	sand.u32 $0x1, s1  }
0xa: {  	s30 =	simm.s32 $0x40;
	[smem:$0x7FF] =	sst s9;
	s2 =	ssub.s32 $0x2, s1  }
0xb: {  	s4 =	sadd.s32 $0x98A200, s0;
	s5 =	sadd.s32 $0xF42E00, s0;
	s31 =	sshrl.u32 s2, $0x1  }
0xc: {  	s3 =	sshll.u32 s3, $0x1;
	s6 =	sadd.s32 $0x7A1C00, s0;
	s0 =	ssub.s32 s2, s31  }
0xd: {  	s8 =	sadd.s32 $0x4, s8;
	s1 =	sor.u32 s1, s3;
	s0 =	smax.u32 s0, $0x1  }
0xe: {  	v0 =	vimm.f32 $0.0e+00;
	_ =	strace $0x80000047;
	s7 =	smul.u32 $0x6400, s1;
	[dreg:$0x4] =	wrdreg s0  }
.LBB2_1:
0xf: {  	[dreg:$0x3] =	wrdreg s9;
	s31 =	simm.s32 $0x0  }
.LBB2_2:
0x10: {  	s0 =	sshll.u32 s31, $0x9  }
0x11: {  	s0 =	sadd.s32 s7, s0  }
0x12: {  	s1 =	sshrl.u32 s0, $0x3  }
0x13: {  	s2 =	simm.s32 $0x0;
	s1 =	sadd.s32 s4, s1  }
0x14: {  	[tilespmem:s2], [sflag:$0x3] =	stream.linear.gather [hbm4b:s1+s2], $0x200, $0x38;
	[tilespmem:$0x8400] =	vst v63  }
0x15: {  	_ =	swait.ge [sflag:s10], $0x200  }
0x16: {  	[sflag:s10] =	ssyncset.done $0x0  }
0x17: {  	s1 =	simm.s32 $0x0;
	[sflag:s10] =	ssyncadd.s32 $0xFFFFFE00  }
0x18: {  	v1 =	vld [tilespmem:s1+$0x0]  }
0x19: {  	s2 =	simm.s32 $0x40  }
.LBB2_3:
0x1a: {  	p0 =	sne.s32 s2, $0x7C0  }
.Ltmp0:
0x1b: {  	_ = 	snop;
	(pc) =	sbr.rel @p0 .LBB2_3-.Ltmp0, $4  }
0x1c: {  	_ = 	snop  }
0x1d: {  	s3 =	sshra.s32 s2, $0x2;
	s2 =	sadd.s32 $0x40, s2;
	vm0 =	vgt.s32 v1, $0x7A11F;
	v2 =	vadd.s32 $0xFFF85EE0, v1  }
0x1e: {  	v2 =	vsel vm0, v2, v1;
	v1 =	vld [tilespmem:s3+$0x0]  }
0x1f: {  	[tilespmem:s1+$0x200] =	vst v2;
	s1 =	smov.u32 s3  }
0x20: {  	_ =	sdelay $0x2  }
0x21: {  	vm0 =	vgt.s32 v1, $0x7A11F;
	v2 =	vadd.s32 $0xFFF85EE0, v1  }
0x22: {  	v1 =	vsel vm0, v2, v1  }
0x23: {  	s3 =	simm.s32 $0x0;
	[tilespmem:s1+$0x200] =	vst v1  }
0x24: {  	[tilespmem:s12], [sflag:$0x1] =	stream.indirect.gather [hbm4b:s5+s11], $0x20, s3, s11, $0xb8;
	[tilespmem:$0x8400] =	vst v63  }
0x25: {  	_ = 	snop  }
0x26: {  	[tilespmem:s14], [sflag:$0x2] =	stream.indirect.gather [hbm4b:s6+s11], $0x20, s13, s11, $0xb8;
	[tilespmem:$0x8400] =	vst v63  }
0x27: {  	_ = 	snop  }
0x28: {  	[tilespmem:s15], [sflag:$0x1] =	stream.indirect.gather [hbm4b:s5+s11], $0x20, s11, s11, $0xb8;
	[tilespmem:$0x8400] =	vst v63  }
0x29: {  	_ = 	snop  }
0x2a: {  	[tilespmem:s17], [sflag:$0x2] =	stream.indirect.gather [hbm4b:s6+s11], $0x20, s16, s11, $0xb8;
	[tilespmem:$0x8400] =	vst v63  }
0x2b: {  	_ = 	snop  }
0x2c: {  	[tilespmem:s19], [sflag:$0x1] =	stream.indirect.gather [hbm4b:s5+s11], $0x20, s18, s11, $0xb8;
	[tilespmem:$0x8400] =	vst v63  }
0x2d: {  	_ = 	snop  }
0x2e: {  	[tilespmem:s21], [sflag:$0x2] =	stream.indirect.gather [hbm4b:s6+s11], $0x20, s20, s11, $0xb8;
	[tilespmem:$0x8400] =	vst v63  }
0x2f: {  	_ = 	snop  }
0x30: {  	[tilespmem:s23], [sflag:$0x1] =	stream.indirect.gather [hbm4b:s5+s11], $0x20, s22, s11, $0xb8;
	[tilespmem:$0x8400] =	vst v63  }
0x31: {  	_ = 	snop  }
0x32: {  	[tilespmem:s25], [sflag:$0x2] =	stream.indirect.gather [hbm4b:s6+s11], $0x20, s24, s11, $0xb8;
	[tilespmem:$0x8400] =	vst v63  }
0x33: {  	_ =	swait.ge [sflag:s26], $0x1000  }
0x34: {  	[sflag:s26] =	ssyncset.done $0x0  }
0x35: {  	[sflag:s26] =	ssyncadd.s32 $0xFFFFF000  }
0x36: {  	_ =	swait.ge [sflag:s28], $0x1000  }
0x37: {  	[sflag:s28] =	ssyncset.done $0x0  }
0x38: {  	[sflag:s28] =	ssyncadd.s32 $0xFFFFF000  }
0x39: {  	_ =	swait.ge [sflag:s26], $0x1000  }
0x3a: {  	[sflag:s26] =	ssyncset.done $0x0  }
0x3b: {  	[sflag:s26] =	ssyncadd.s32 $0xFFFFF000  }
0x3c: {  	_ =	swait.ge [sflag:s28], $0x1000  }
0x3d: {  	[sflag:s28] =	ssyncset.done $0x0  }
0x3e: {  	[sflag:s28] =	ssyncadd.s32 $0xFFFFF000  }
0x3f: {  	_ =	swait.ge [sflag:s26], $0x1000  }
0x40: {  	[sflag:s26] =	ssyncset.done $0x0  }
0x41: {  	[sflag:s26] =	ssyncadd.s32 $0xFFFFF000  }
0x42: {  	_ =	swait.ge [sflag:s28], $0x1000  }
0x43: {  	[sflag:s28] =	ssyncset.done $0x0  }
0x44: {  	[sflag:s28] =	ssyncadd.s32 $0xFFFFF000  }
0x45: {  	_ =	swait.ge [sflag:s26], $0x1000  }
0x46: {  	[sflag:s26] =	ssyncset.done $0x0  }
0x47: {  	[sflag:s26] =	ssyncadd.s32 $0xFFFFF000  }
0x48: {  	_ =	swait.ge [sflag:s28], $0x1000  }
0x49: {  	[sflag:s28] =	ssyncset.done $0x0  }
0x4a: {  	s3 =	simm.s32 $0x4500;
	[sflag:s28] =	ssyncadd.s32 $0xFFFFF000  }
0x4b: {  	v8 =	vld [tilespmem:s3+$0xFFFFFFF0]  }
0x4c: {  	v10 =	vld [tilespmem:s3+$0xFFFFFF10]  }
0x4d: {  	v12 =	vld [tilespmem:s3+$0xE0]  }
0x4e: {  	v11 =	vld [tilespmem:s3+$0xFFFFFF40]  }
0x4f: {  	v1 =	vld [tilespmem:s3+$0xFFFFFFC0]  }
0x50: {  	s9 =	simm.s32 $0x0;
	v4 =	vld [tilespmem:s3+$0xFFFFFFE0]  }
0x51: {  	v2 =	vld [tilespmem:s9+$0x0]  }
0x52: {  	v6 =	vld [tilespmem:s3+$0xFFFFFF70]  }
0x53: {  	v9 =	vld [tilespmem:s3+$0xFFFFFFD0]  }
0x54: {  	v3 =	vld [tilespmem:s3+$0xFFFFFFB0]  }
0x55: {  	v14 =	vld [tilespmem:s3+$0xFFFFFF00]  }
0x56: {  	v7 =	vld [tilespmem:s3+$0xFFFFFF20];
	vm15 =	vgt.s32 v2, $0x7A11F  }
0x57: {  	v21 =	vld [tilespmem:s3+$0xC0];
	v2 =	vsel vm15, $0x3F800000, v0  }
0x58: {  	v16 =	vld [tilespmem:s3+$0x90];
	v17 =	vbroadcast v2, $0x0;
	v5 =	vbroadcast v2, $0xF  }
0x59: {  	v18 =	vld [tilespmem:s3+$0xFFFFFF50];
	v19 =	vbroadcast v2, $0x2;
	v13 =	vbroadcast v2, $0xE  }
0x5a: {  	v20 =	vld [tilespmem:s3+$0xB0];
	v23 =	vmul.f32 v17, v14;
	v14 =	vbroadcast v2, $0xD  }
0x5b: {  	s2 =	simm.s32 $0x4500;
	s9 =	simm.s32 $0x40;
	v15 =	vld [tilespmem:s3+$0xD0];
	v22 =	vmul.f32 v11, v19;
	v11 =	vbroadcast v2, $0xC  }
.LBB2_5:
0x5c: {  	p0 =	sne.s32 s9, $0x7C0  }
0x5d: {  	[tilespmem:s3+$0xFFFFFF00] =	vst v23;
	v23 =	vld [tilespmem:s3+$0x60];
	v21 =	vmul.f32 v21, v13;
	v12 =	vmul.f32 v12, v5;
	s2 =	sadd.s32 $0x200, s2;
	s1 =	smov.u32 s9;
	s9 =	sadd.s32 $0x40, s9  }
0x5e: {  	[tilespmem:s3+$0xFFFFFF40] =	vst v22;
	v22 =	vbroadcast v2, $0xA;
	v16 =	vmul.f32 v16, v11;
	v24 =	vld [tilespmem:s3+$0xA0]  }
0x5f: {  	v10 =	vmul.f32 v17, v10;
	v17 =	vmul.f32 v18, v19;
	v18 =	vld [tilespmem:s3+$0x70];
	[tilespmem:s3+$0xE0] =	vst v12  }
0x60: {  	v12 =	vbroadcast v2, $0x5;
	v19 =	vld [tilespmem:s3+$0x80];
	v20 =	vmul.f32 v20, v14;
	[tilespmem:s3+$0xC0] =	vst v21  }
0x61: {  	v21 =	vbroadcast v2, $0x6;
	[tilespmem:s3+$0xFFFFFF10] =	vst v10;
	v10 =	vld [tilespmem:s3+$0xFFFFFF60];
	v13 =	vmul.f32 v15, v13  }
0x62: {  	v26 =	vbroadcast v2, $0xB;
	v15 =	vbroadcast v2, $0x7;
	v25 =	vld [tilespmem:s3+$0x40];
	[tilespmem:s3+$0xB0] =	vst v20  }
0x63: {  	v20 =	vbroadcast v2, $0x9;
	[tilespmem:s3+$0xFFFFFF50] =	vst v17;
	v17 =	vld [tilespmem:s3+$0x20];
	v14 =	vmul.f32 v24, v14  }
0x64: {  	v24 =	vbroadcast v2, $0x3;
	v27 =	vld [tilespmem:s3+$0x50];
	v18 =	vmul.f32 v18, v26;
	[tilespmem:s3+$0x90] =	vst v16  }
0x65: {  	v8 =	vmul.f32 v8, v15;
	v16 =	vld [tilespmem:s3+$0x0];
	v11 =	vmul.f32 v19, v11;
	[tilespmem:s3+$0xA0] =	vst v14  }
0x66: {  	v9 =	vmul.f32 v9, v21;
	v10 =	vmul.f32 v10, v24;
	v14 =	vld [tilespmem:s3+$0x30];
	[tilespmem:s3+$0x70] =	vst v18  }
0x67: {  	v19 =	vmul.f32 v23, v26;
	v18 =	vbroadcast v2, $0x1;
	[tilespmem:s3+$0xFFFFFFF0] =	vst v8;
	v8 =	vld [tilespmem:s3+$0x10]  }
0x68: {  	v25 =	vmul.f32 v25, v22;
	v23 =	vld [tilespmem:s3+$0xFFFFFFA0];
	[tilespmem:s3+$0xFFFFFFD0] =	vst v9;
	v9 =	vbroadcast v2, $0x8  }
0x69: {  	v17 =	vmul.f32 v17, v20;
	v26 =	vld [tilespmem:s3+$0xFFFFFF30];
	v22 =	vmul.f32 v27, v22;
	[tilespmem:s3+$0xD0] =	vst v13  }
0x6a: {  	v6 =	vmul.f32 v6, v24;
	v7 =	vmul.f32 v7, v18;
	[tilespmem:s3+$0x80] =	vst v11;
	v11 =	vld [tilespmem:s3+$0xF0]  }
0x6b: {  	v16 =	vmul.f32 v16, v9;
	v13 =	vld [tilespmem:s3+$0xFFFFFF90];
	v14 =	vmul.f32 v14, v20;
	[tilespmem:s3+$0x60] =	vst v19  }
0x6c: {  	v4 =	vmul.f32 v4, v15;
	[tilespmem:s3+$0xFFFFFF70] =	vst v6;
	v6 =	vld [tilespmem:s3+$0xFFFFFF80];
	v9 =	vmul.f32 v8, v9  }
0x6d: {  	v1 =	vmul.f32 v1, v21;
	[tilespmem:s3+$0xFFFFFF60] =	vst v10;
	v8 =	vmul.f32 v23, v12  }
0x6e: {  	v3 =	vmul.f32 v3, v12;
	[tilespmem:s3+$0xFFFFFF20] =	vst v7;
	v7 =	vmul.f32 v26, v18  }
0x6f: {  	v2 =	vbroadcast v2, $0x4;
	[tilespmem:s3+$0xFFFFFFE0] =	vst v4;
	v4 =	vmul.f32 v11, v5  }
0x70: {  	[tilespmem:s3+$0xFFFFFFC0] =	vst v1  }
0x71: {  	v1 =	vmul.f32 v6, v2;
	v2 =	vmul.f32 v13, v2;
	[tilespmem:s3+$0xF0] =	vst v4  }
0x72: {  	[tilespmem:s3+$0xFFFFFFB0] =	vst v3  }
0x73: {  	[tilespmem:s3+$0xFFFFFF90] =	vst v2  }
0x74: {  	[tilespmem:s3+$0xFFFFFFA0] =	vst v8  }
0x75: {  	[tilespmem:s3+$0x40] =	vst v25  }
0x76: {  	[tilespmem:s3+$0xFFFFFF80] =	vst v1  }
0x77: {  	v8 =	vld [tilespmem:s2+$0xFFFFFFF0];
	[tilespmem:s3+$0x0] =	vst v16  }
0x78: {  	v10 =	vld [tilespmem:s2+$0xFFFFFF10];
	[tilespmem:s3+$0x30] =	vst v14  }
0x79: {  	v12 =	vld [tilespmem:s2+$0xE0];
	[tilespmem:s3+$0x20] =	vst v17  }
0x7a: {  	v11 =	vld [tilespmem:s2+$0xFFFFFF40];
	[tilespmem:s3+$0x50] =	vst v22  }
0x7b: {  	v1 =	vld [tilespmem:s2+$0xFFFFFFC0];
	[tilespmem:s3+$0xFFFFFF30] =	vst v7  }
0x7c: {  	s1 =	sshra.s32 s1, $0x2;
	v4 =	vld [tilespmem:s2+$0xFFFFFFE0];
	[tilespmem:s3+$0x10] =	vst v9;
	s3 =	smov.u32 s2  }
0x7d: {  	v2 =	vld [tilespmem:s1+$0x0]  }
0x7e: {  	v6 =	vld [tilespmem:s2+$0xFFFFFF70]  }
0x7f: {  	v9 =	vld [tilespmem:s2+$0xFFFFFFD0]  }
0x80: {  	v3 =	vld [tilespmem:s2+$0xFFFFFFB0]  }
0x81: {  	v14 =	vld [tilespmem:s2+$0xFFFFFF00]  }
0x82: {  	vm0 =	vgt.s32 v2, $0x7A11F;
	v7 =	vld [tilespmem:s2+$0xFFFFFF20]  }
.Ltmp1:
0x83: {  	v2 =	vsel vm0, $0x3F800000, v0;
	v21 =	vld [tilespmem:s2+$0xC0];
	(pc) =	sbr.rel @p0 .LBB2_5-.Ltmp1, $4  }
0x84: {  	v17 =	vbroadcast v2, $0x0;
	v16 =	vld [tilespmem:s2+$0x90];
	v5 =	vbroadcast v2, $0xF  }
0x85: {  	v19 =	vbroadcast v2, $0x2;
	v13 =	vbroadcast v2, $0xE;
	v18 =	vld [tilespmem:s2+$0xFFFFFF50]  }
0x86: {  	v23 =	vmul.f32 v17, v14;
	v20 =	vld [tilespmem:s2+$0xB0];
	v14 =	vbroadcast v2, $0xD  }
0x87: {  	v22 =	vmul.f32 v11, v19;
	v11 =	vbroadcast v2, $0xC;
	v15 =	vld [tilespmem:s2+$0xD0]  }
0x88: {  	[tilespmem:s3+$0xFFFFFF00] =	vst v23;
	v12 =	vmul.f32 v12, v5  }
0x89: {  	v21 =	vmul.f32 v21, v13;
	[tilespmem:s3+$0xFFFFFF40] =	vst v22  }
0x8a: {  	v10 =	vmul.f32 v17, v10;
	[tilespmem:s3+$0xE0] =	vst v12  }
0x8b: {  	v35 =	vbroadcast v2, $0x7;
	v32 =	vmul.f32 v16, v11;
	[tilespmem:s3+$0xC0] =	vst v21  }
0x8c: {  	v39 =	vbroadcast v2, $0x6;
	v18 =	vmul.f32 v18, v19;
	[tilespmem:s3+$0xFFFFFF10] =	vst v10  }
0x8d: {  	v43 =	vbroadcast v2, $0x3;
	v8 =	vmul.f32 v8, v35;
	[tilespmem:s3+$0x90] =	vst v32  }
0x8e: {  	v48 =	vbroadcast v2, $0x1;
	v9 =	vmul.f32 v9, v39;
	[tilespmem:s3+$0xFFFFFF50] =	vst v18  }
0x8f: {  	v6 =	vmul.f32 v6, v43;
	[tilespmem:s3+$0xFFFFFFF0] =	vst v8  }
0x90: {  	v51 =	vmul.f32 v7, v48;
	[tilespmem:s3+$0xFFFFFFD0] =	vst v9  }
0x91: {  	v28 =	vld [tilespmem:s3+$0xA0];
	v53 =	vbroadcast v2, $0x5;
	v4 =	vmul.f32 v4, v35;
	[tilespmem:s3+$0xFFFFFF70] =	vst v6  }
0x92: {  	v29 =	vld [tilespmem:s3+$0x70];
	v1 =	vmul.f32 v1, v39;
	[tilespmem:s3+$0xFFFFFF20] =	vst v51  }
0x93: {  	v31 =	vld [tilespmem:s3+$0x80];
	v3 =	vmul.f32 v3, v53;
	[tilespmem:s3+$0xFFFFFFE0] =	vst v4  }
0x94: {  	v30 =	vld [tilespmem:s3+$0x60];
	v20 =	vmul.f32 v20, v14;
	[tilespmem:s3+$0xFFFFFFC0] =	vst v1  }
0x95: {  	v33 =	vld [tilespmem:s3+$0xFFFFFF60];
	v34 =	vbroadcast v2, $0xB;
	v41 =	vmul.f32 v15, v13;
	[tilespmem:s3+$0xFFFFFFB0] =	vst v3  }
0x96: {  	v47 =	vld [tilespmem:s3+$0xF0];
	[tilespmem:s3+$0xB0] =	vst v20;
	v37 =	vmul.f32 v28, v14  }
0x97: {  	v49 =	vld [tilespmem:s3+$0xFFFFFF90];
	v17 =	vmul.f32 v29, v34;
	[tilespmem:s3+$0xD0] =	vst v41  }
0x98: {  	v46 =	vld [tilespmem:s3+$0xFFFFFFA0];
	v45 =	vmul.f32 v31, v11;
	[tilespmem:s3+$0xA0] =	vst v37  }
0x99: {  	v52 =	vld [tilespmem:s3+$0xFFFFFF80];
	v12 =	vmul.f32 v30, v34;
	[tilespmem:s3+$0x70] =	vst v17  }
0x9a: {  	v50 =	vld [tilespmem:s3+$0xFFFFFF30];
	v55 =	vbroadcast v2, $0x4;
	v15 =	vmul.f32 v33, v43;
	[tilespmem:s3+$0x80] =	vst v45  }
0x9b: {  	v36 =	vld [tilespmem:s3+$0x40];
	v56 =	vmul.f32 v47, v5;
	[tilespmem:s3+$0x60] =	vst v12  }
0x9c: {  	v42 =	vld [tilespmem:s3+$0x0];
	v57 =	vmul.f32 v49, v55;
	[tilespmem:s3+$0xFFFFFF60] =	vst v15  }
0x9d: {  	v44 =	vld [tilespmem:s3+$0x30];
	v58 =	vmul.f32 v46, v53;
	[tilespmem:s3+$0xF0] =	vst v56  }
0x9e: {  	v38 =	vld [tilespmem:s3+$0x20];
	v1 =	vbroadcast v2, $0xA;
	v60 =	vmul.f32 v52, v55;
	[tilespmem:s3+$0xFFFFFF90] =	vst v57  }
0x9f: {  	v40 =	vld [tilespmem:s3+$0x50];
	v3 =	vbroadcast v2, $0x8;
	v63 =	vmul.f32 v50, v48;
	[tilespmem:s3+$0xFFFFFFA0] =	vst v58  }
0xa0: {  	v54 =	vld [tilespmem:s3+$0x10];
	v2 =	vbroadcast v2, $0x9;
	v59 =	vmul.f32 v36, v1;
	[tilespmem:s3+$0xFFFFFF80] =	vst v60  }
0xa1: {  	v61 =	vmul.f32 v42, v3;
	[tilespmem:s3+$0xFFFFFF30] =	vst v63  }
0xa2: {  	v62 =	vmul.f32 v44, v2;
	[tilespmem:s3+$0x40] =	vst v59  }
0xa3: {  	v2 =	vmul.f32 v38, v2;
	[tilespmem:s3+$0x0] =	vst v61  }
0xa4: {  	v1 =	vmul.f32 v40, v1;
	[tilespmem:s3+$0x30] =	vst v62  }
0xa5: {  	[tilespmem:s3+$0x20] =	vst v2;
	v2 =	vmul.f32 v54, v3  }
0xa6: {  	s0 =	sshll.u32 s0, $0x3;
	s1 =	rddreg [dreg:$0x1];
	[tilespmem:s3+$0x50] =	vst v1  }
0xa7: {  	s1 =	sadd.s32 s1, s0;
	[tilespmem:s3+$0x10] =	vst v2  }
0xa8: {  	[hbm4b:s1+s29] =	stream.strided.scatter [tilespmem:s12], [sflag:$0x3], $0x4000, s30, s29, $0x38;
	[tilespmem:$0x8400] =	vst v63  }
0xa9: {  	s31 =	sadd.s32 $0x1, s31;
	_ =	swait.ge [sflag:s10], $0x4000  }
0xaa: {  	p0 =	sne.s32 s31, $0x32;
	[sflag:s10] =	ssyncset.done $0x0  }
.Ltmp2:
0xab: {  	s0 =	sadd.s32 s0, s8;
	[sflag:s10] =	ssyncadd.s32 $0xFFFFC000;
	(pc) =	sbr.rel @p0 .LBB2_2-.Ltmp2, $4  }
0xac: {  	[hbm4b:s0+s29] =	stream.strided.scatter [tilespmem:s14], [sflag:$0x3], $0x4000, s30, s29, $0x38;
	[tilespmem:$0x8400] =	vst v63  }
0xad: {  	_ =	swait.ge [sflag:s10], $0x4000  }
0xae: {  	[sflag:s10] =	ssyncset.done $0x0  }
0xaf: {  	[sflag:s10] =	ssyncadd.s32 $0xFFFFC000  }
0xb0: {  	s9 =	rddreg [dreg:$0x3]  }
0xb1: {  	s0 =	rddreg [dreg:$0x4];
	s9 =	sadd.s32 $0x1, s9  }
0xb2: {  	p0 =	sne.s32 s9, s0  }
.Ltmp3:
0xb3: {  	_ = 	snop;
	(pc) =	sbr.rel @p0 .LBB2_1-.Ltmp3, $1  }
0xb4: {  	_ =	sdelay $0x3  }
0xb5: {  	_ =	sfence.sel $0x180000  }
0xb6: {  	[bflag:$0x0] =	sbarrier.arrive $0xFFFF  }
0xb7: {  	_ =	strace $0x90000047  }
0xb8: {  	s0 =	stileid.u32;
	[bflag:$0x2] =	sbarrier.arrive $0xFFFF  }
0xb9: {  	p0 =	sne.s32 s0, $0x0;
	s0 =	rddreg [dreg:$0x2]  }
0xba: {  	s0 =	sadd.s32 @!p0 $0x100000, s0  }
0xbb: {  	[sflag:s0] =	ssyncadd.tile.s32 @!p0 $0x1;
	_ =	shalt  }
.Lfunc_end2:
_tile_overlayer_lowered:
.L_overlay_start_2:
0xbc: {  	(tag) =	ssettag $0x2  }
0xbd: {  	s0 =	rddreg [dreg:$0x0];
	s2 =	stileid.u32  }
0xbe: {  	s1 =	rddreg [dreg:$0x1];
	p0 =	sne.s32 s2, $0x0  }
0xbf: {  	s3 =	rddreg [dreg:$0x2];
	[bflag:$0x3] =	sbarrier.arrive $0xFFFF;
	s2 =	simm.s32 @!p0 $0x1C03  }
0xc0: {  	[timem:s3], [sflag:s2] =	dma.local @!p0 [hbm:s0], s1  }
0xc1: {  	s0 =	simm.s32 @!p0 $0x3  }
0xc2: {  	_ =	swait.ge @!p0 [sflag:s0], s1  }
0xc3: {  	s1 =	ssub.s32 @!p0 $0x0, s1;
	[sflag:s0] =	ssyncset.done @!p0 $0x0  }
0xc4: {  	[sflag:s0] =	ssyncadd.s32 @!p0 s1  }
0xc5: {  	[bflag:$0x3] =	sbarrier.arrive $0xFFFF  }
0xc6: {  	_ =	shalt  }

// kernel: sparse-core-data-format-call.cloned.1.call-start
scs
called_computation_lowered:
.L_overlay_start_0:
0x0: {  	s2 =	sld [smem:$0x3FD9]  }
0x1: {  	s3 =	sld [smem:$0x3FFE];
	_ =	sdelay $0x1  }
0x2: {  	s1 =	srdreg.scid  }
0x3: {  	s0 =	sand.u32 $0x1, s1  }
0x4: {  	s18 =	sshll.u32 s0, $0xA;
	s2 =	sadd.s32 s3, s2  }
0x5: {  	s2 =	sadd.s32 s2, s18  }
0x6: {  	[smem:$0x3FC5] =	sst s2  }
0x7: {  	_ = 	snop  }
0x8: {  	s2 =	sld [smem:$0x3FD0];
	(tm) =	ssettm $0x1  }
0x9: {  	s19 =	sld [smem:$0x3FFB];
	_ =	sdelay $0x3  }
0xa: {  	_ =	strace s19  }
0xb: {  	s3 =	sld [smem:$0x3FFC];
	_ =	sdelay $0x3  }
0xc: {  	_ =	strace s3  }
0xd: {  	s3 =	sld [smem:$0x3FFD];
	_ =	sdelay $0x3  }
0xe: {  	_ =	strace s3  }
0xf: {  	_ =	strace $0x8FFFFFFF  }
0x10: {  	s20 =	sld [smem:$0x3FDB];
	_ =	sdelay $0x1  }
0x11: {  	s4 =	simm.s32 $_scs_section_size  }
0x12: {  	s5 =	simm.s32 $_size__tile_overlayer_lowered;
	s6 =	simm.s32 $_tile_overlayer_lowered  }
0x13: {  	s23 =	simm.s32 $0x1BFF;
	s22 =	sshll.u32 s6, $0x1;
	s3 =	sadd.s32 s4, s20  }
0x14: {  	s7 =	simm.s32 $0x0;
	s21 =	sshll.u32 s5, $0x1;
	s5 =	sadd.s32 s22, s3  }
0x15: {  	[timem:s7], [sflag:s23] =	dma.local [hbm:s5], s21  }
0x16: {  	_ =	swait.ge [sflag:s23], s21  }
0x17: {  	s4 =	ssub.s32 $0x0, s21;
	[sflag:s23] =	ssyncset.done $0x0  }
0x18: {  	[sflag:s23] =	ssyncadd.s32 s4;
	_ =	sdelay $0x1  }
0x19: {  	s24 =	simm.s32 $0x1B8B  }
0x1a: {  	_ =	swait.ge [sflag:s24], $0x1  }
0x1b: {  	[sflag:s24] =	ssyncset.done $0x0  }
0x1c: {  	s26 =	simm.s32 $0x1B8E;
	s25 =	sld [smem:$0x3FFE];
	[sflag:s24] =	ssyncadd.s32 $0xFFFFFFFF  }
0x1d: {  	s27 =	simm.s32 $execute0_lowered;
	[smem:$0x3FD2] =	sst s26  }
0x1e: {  	s5 =	sshll.u32 s27, $0x1;
	_ =	strace $0x80000049;
	[dreg:$0x1] =	wrdreg $0xFFFFFFFF  }
0x1f: {  	s28 =	simm.s32 $_size_execute0_lowered;
	s3 =	sadd.s32 s3, s5;
	[dreg:$0x0] =	wrdreg $0x0  }
0x20: {  	s5 =	sshll.u32 s28, $0x1;
	[dreg:$0x2] =	wrdreg s3  }
0x21: {  	[dreg:$0x3] =	wrdreg s5  }
0x22: {  	[dreg:$0x4] =	wrdreg $0xC0  }
0x23: {  	_ =	task [dreg:s7], $0x5FFFF  }
0x24: {  	[dreg:$0x1] =	wrdreg $0xFFFFFFFF  }
0x25: {  	[dreg:$0x0] =	wrdreg $0x60  }
0x26: {  	[dreg:$0x2] =	wrdreg s25  }
0x27: {  	[dreg:$0x3] =	wrdreg s2  }
0x28: {  	[dreg:$0x4] =	wrdreg $0x9  }
0x29: {  	_ =	task.clear_ibuf [dreg:s7], $0x5FFFF;
	_ =	strace $0x90000049  }
0x2a: {  	s29 =	simm.s32 $0x9;
	_ =	strace $0x8000004B  }
0x2b: {  	_ =	swait.ge [sflag:s29], $0x1  }
0x2c: {  	[sflag:s29] =	ssyncadd.s32 $0xFFFFFFFF  }
0x2d: {  	_ =	strace $0x9000004B  }
0x2e: {  	_ =	sfence  }
0x2f: {  	s30 =	sld [smem:$0x0];
	_ =	sdelay $0x2  }
0x30: {  	s31 =	sshll.u32 s1, $0xD;
	s1 =	sshrl.u32 s1, $0x2  }
0x31: {  	s3 =	sand.u32 $0x4000, s31;
	s1 =	sadd.s32 s1, s30  }
0x32: {  	s0 =	sor.u32 s3, s0;
	s1 =	sshll.u32 s1, $0x11  }
0x33: {  	s0 =	sor.u32 s1, s0  }
0x34: {  	s0 =	sadd.s32 $0x8F2B, s0  }
0x35: {  	[sflag:s0] =	ssyncadd.remote.s32 $0x1  }
0x36: {  	_ =	sfence.sel $0xFFFF  }
0x37: {  	[dreg:$0x0] =	wrdreg $0xFFFFFFFF;
	(pc) =	sbr.abs _section_cstart, $3  }
0x38: {  	[dreg:$0x1] =	wrdreg $0xFFFFFFFF  }
0x39: {  	_ =	task.clear_ibuf [dreg:s7], $0x2FFFF;
	_ =	strace $0x9FFFFFFF  }
0x3a: {  	(tm) =	ssettm $0x7FFFFFFF  }
0x3b: {  	_ =	shalt  }
tec
execute0_lowered:
.L_overlay_start_1:
0x0: {  	(tag) =	ssettag $0x1  }
0x1: {  	s0 =	srdreg.scid  }
0x2: {  	s1 =	sshll.u32 s0, $0x4  }
0x3: {  	s0 =	stileid.u32;
	s1 =	sand.u32 $0x10, s1  }
0x4: {  	s1 =	sor.u32 s0, s1  }
0x5: {  	s6 =	rddreg [dreg:$0x0];
	s4 =	simm.s32 $0x1;
	s2 =	sshll.u32 s1, $0x7  }
0x6: {  	s7 =	simm.s32 $0x2;
	s12 =	simm.s32 $0x0;
	s1 =	ssub.s32 $0x1000, s2  }
0x7: {  	s8 =	simm.s32 $0x8000;
	s13 =	simm.s32 $0x0;
	s3 =	sand.u32 $0xF80, s1  }
0x8: {  	s9 =	simm.s32 $0x0;
	s5 =	sshrl.u32 s1, $0xC;
	p0 =	sne.s32 s3, $0x0  }
.Ltmp0:
0x9: {  	s1 =	rddreg [dreg:$0x2];
	s4 =	simm.s32 @!p0 $0x0;
	(pc) =	sbr.rel .LBB1_1-.Ltmp0, $4  }
0xa: {  	s11 =	simm.s32 $0x0;
	s3 =	rddreg [dreg:$0x1];
	s5 =	sadd.s32 s4, s5  }
0xb: {  	_ =	strace $0x8000004A;
	s4 =	simm.s32 $0x1;
	s5 =	smul.u32 $0xC8, s5  }
0xc: {  	s6 =	sadd.s32 $0xA00, s6;
	s10 =	smov.u32 s2;
	[sflag:s4] =	ssyncpa.u1 $0x0  }
0xd: {  	p0 =	por $0x0, $0x0;
	[sflag:s7] =	ssyncpa.u1 $0x0;
	s7 =	sor.u32 $0x1, s5  }
.LBB1_4:
0xe: {  	s16 =	sshll.u32 s13, $0x3;
	s17 =	sand.u32 $0x78, s13  }
0xf: {  	s30 =	sand.u32 $0x7E00, s13;
	s12 =	sshll.u32 s12, $0xF;
	s16 =	sand.u32 $0xC00, s16  }
0x10: {  	[tilespmem:s15+$0x810 ss:$0x81] =	vst.msk $0xffff, v2;
	s31 =	sand.u32 $0x7, s13;
	s16 =	sor.u32 s17, s16;
	s17 =	sadd.s32 s3, s30  }
0x11: {  	[tilespmem:s15+$0x1020 ss:$0x81] =	vst.msk $0xffff, v0;
	s13 =	sshll.u32 s31, $0x12;
	s12 =	sadd.s32 s12, s17;
	s16 =	sshrl.u32 s16, $0x3  }
0x12: {  	[tilespmem:s15+$0x0 ss:$0x81] =	vst.msk $0xffff, v1;
	s13 =	sor.u32 $0x400, s13;
	s12 =	sadd.s32 s16, s12  }
0x13: {  	[hbm4b:s12+s13] =	stream.strided.scatter [tilespmem:s14], [sflag:$0x2], $0x2000, s8, s13, $0x20;
	[tilespmem:$0x8080] =	vst v63  }
.LBB1_5:
0x14: {  	s14 =	sadd.s32 $0x1, s9  }
0x15: {  	s12 =	sadd.s32 $0x1000, s10;
	s16 =	smov.u32 s10;
	p2 =	sgt.s32 s14, $0xC7  }
0x16: {  	s16 =	smov.u32 @p2 s12  }
0x17: {  	s14 =	simm.s32 @p2 $0x0;
	p2 =	sgt.s32 s16, $0xFFF  }
0x18: {  	s16 =	smov.u32 @p2 s2;
	p2 =	sne.s32 s11, s7  }
.Ltmp1:
0x19: {  	p1 =	slt.u32 s11, $0x2;
	(pc) =	sbr.rel @!p2 .LBB1_6-.Ltmp1, $4  }
0x1a: {  	s15 =	simm.s32 @!p1 $0x2  }
0x1b: {  	s13 =	smov.u32 s10;
	p0 =	por !p0, !p0;
	_ =	swait.ge @!p1 [sflag:s15], $0x2000  }
0x1c: {  	s12 =	smov.u32 s9;
	[sflag:s15] =	ssyncset.done @!p1 $0x0;
	s9 =	smov.u32 s14  }
0x1d: {  	s11 =	sadd.s32 $0x1, s11;
	[sflag:s15] =	ssyncadd.s32 @!p1 $0xFFFFE000;
	s10 =	smov.u32 s16  }
.LBB1_1:
0x1e: {  	p1 =	sge.u32 s11, s5  }
0x1f: {  	s14 =	sand.u32 @!p1 $0x1FFFFFF, s9  }
0x20: {  	s15 =	smulhi.u32 @!p1 $0x147AE15, s14;
	_ =	sdelay $0x1  }
0x21: {  	s15 =	smul.u32 @!p1 $0xC8, s15  }
0x22: {  	s16 =	sxor.u32 @!p1 $0xFFFFFFFF, s11;
	s17 =	smul.u32 @!p1 $0xC80, s10  }
0x23: {  	s31 =	sadd.s32 $0xFFFFFFFF, s11;
	s16 =	sshll.u32 @!p1 s16, $0xD;
	s14 =	ssub.s32 @!p1 s14, s15  }
0x24: {  	s15 =	sand.u32 @!p1 $0x2000, s16;
	s16 =	sadd.s32 @!p1 s6, s17;
	s14 =	sshll.u32 @!p1 s14, $0x4  }
0x25: {  	s17 =	simm.s32 @!p1 $0x6400;
	s14 =	sadd.s32 @!p1 s14, s16;
	s16 =	simm.s32 @!p1 $0x40  }
0x26: {  	[tilespmem:s15], [sflag:$0x1] =	stream.strided.gather @!p1 [hbm4b:s14+s16], $0x2000, s17, s16, $0x38;
	[tilespmem:$0x8080] =	vst v63  }
0x27: {  	p1 =	sge.u32 s31, s5  }
.Ltmp2:
0x28: {  	_ = 	snop;
	(pc) =	sbr.rel @p1 .LBB1_5-.Ltmp2, $1  }
0x29: {  	_ =	sdelay $0x3  }
0x2a: {  	s14 =	simm.s32 $0x1  }
0x2b: {  	_ =	swait.ge [sflag:s4], $0x2000;
	s14 =	simm.s32 @!p0 $0x0  }
0x2c: {  	[sflag:s4] =	ssyncset.done $0x0;
	s15 =	sshll.u32 s14, $0xD  }
0x2d: {  	[sflag:s4] =	ssyncadd.s32 $0xFFFFE000;
	s18 =	sor.u32 $0x20, s15  }
0x2e: {  	s14 =	smul.u32 $0x8100, s14;
	v3 =	vld [tilespmem:s18+$0x10]  }
0x2f: {  	s30 =	sand.u32 $0x1, s11;
	v2 =	vld [tilespmem:s18+$0xFFFFFFF0]  }
0x30: {  	s15 =	smul.u32 $0x8100, s30;
	s14 =	sshrl.u32 s14, $0x2;
	v0 =	vld [tilespmem:s18+$0x0]  }
0x31: {  	v1 =	vld [tilespmem:s18+$0xFFFFFFE0];
	s16 =	sor.u32 $0x4000, s14  }
0x32: {  	s31 =	sshrl.u32 s15, $0x2;
	s15 =	sadd.s32 $0x0, s16  }
0x33: {  	s17 =	simm.s32 $0x4;
	s18 =	sadd.s32 $0x40, s18;
	s14 =	sor.u32 $0x4000, s31;
	[tilespmem:s15+$0x1830 ss:$0x81] =	vst.msk $0xffff, v3  }
.LBB1_3:
0x34: {  	v3 =	vld [tilespmem:s18+$0x10];
	p1 =	sne.s32 s17, $0x1FC;
	[tilespmem:s15+$0x810 ss:$0x81] =	vst.msk $0xffff, v2;
	s19 =	smov.u32 s17;
	s17 =	sadd.s32 $0x4, s17  }
.Ltmp3:
0x35: {  	v2 =	vld [tilespmem:s18+$0xFFFFFFF0];
	[tilespmem:s15+$0x1020 ss:$0x81] =	vst.msk $0xffff, v0;
	(pc) =	sbr.rel @p1 .LBB1_3-.Ltmp3, $4  }
0x36: {  	v0 =	vld [tilespmem:s18+$0x0];
	[tilespmem:s15+$0x0 ss:$0x81] =	vst.msk $0xffff, v1  }
0x37: {  	s15 =	sshra.s32 s19, $0x2;
	v1 =	vld [tilespmem:s18+$0xFFFFFFE0]  }
0x38: {  	s15 =	sadd.s32 s15, s16  }
0x39: {  	s18 =	sadd.s32 $0x40, s18;
	[tilespmem:s15+$0x1830 ss:$0x81] =	vst.msk $0xffff, v3  }
.Ltmp4:
0x3a: {  	_ = 	snop;
	(pc) =	sbr.rel .LBB1_4-.Ltmp4, $1  }
0x3b: {  	_ =	sdelay $0x3  }
.LBB1_6:
0x3c: {  	_ =	sfence.sel $0x180000  }
0x3d: {  	s2 =	simm.s32 $0x1;
	[bflag:$0x0] =	sbarrier.arrive $0xFFFF  }
0x3e: {  	s31 =	simm.s32 $0x2;
	[sflag:s2] =	ssyncpa.u1 $0x1  }
0x3f: {  	[sflag:s31] =	ssyncpa.u1 $0x1  }
0x40: {  	p0 =	sne.s32 s0, $0x0;
	_ =	strace $0x9000004A  }
0x41: {  	s0 =	sadd.s32 @!p0 $0x100000, s1;
	[bflag:$0x2] =	sbarrier.arrive $0xFFFF  }
0x42: {  	[sflag:s0] =	ssyncadd.tile.s32 @!p0 $0x1;
	_ =	shalt  }
.Lfunc_end1:
_tile_overlayer_lowered:
.L_overlay_start_2:
0x43: {  	(tag) =	ssettag $0x2  }
0x44: {  	s0 =	rddreg [dreg:$0x0];
	s2 =	stileid.u32  }
0x45: {  	s1 =	rddreg [dreg:$0x1];
	p0 =	sne.s32 s2, $0x0  }
0x46: {  	s3 =	rddreg [dreg:$0x2];
	[bflag:$0x3] =	sbarrier.arrive $0xFFFF;
	s2 =	simm.s32 @!p0 $0x1C01  }
0x47: {  	[timem:s3], [sflag:s2] =	dma.local @!p0 [hbm:s0], s1  }
0x48: {  	s0 =	simm.s32 @!p0 $0x1  }
0x49: {  	_ =	swait.ge @!p0 [sflag:s0], s1  }
0x4a: {  	s1 =	ssub.s32 @!p0 $0x0, s1;
	[sflag:s0] =	ssyncset.done @!p0 $0x0  }
0x4b: {  	[sflag:s0] =	ssyncadd.s32 @!p0 s1  }
0x4c: {  	[bflag:$0x3] =	sbarrier.arrive $0xFFFF  }
0x4d: {  	_ =	shalt  }

</sc_bundles>
